<compile_context>
chip_gen: v7x
topology: tpu7x:2x2x1
jax: 0.10.2.dev20260603
libtpu: 0.0.44.dev20260713+nightly
codegen_flags: <defaults>
</compile_context>

<pallas_src>
import functools

import jax
import jax.numpy as jnp
from jax import lax
from jax.experimental import pallas as pl
from jax.experimental.pallas import tpu as pltpu
from jax.experimental.pallas import tpu_sc as plsc

B = 4096 * 200
D = 256
V = 4101
HD = D // 2

NC = 2
NS = 16
BPW = B // NS
C = 128
W = 2 * C
NSUP = BPW // W
NBUF = 2
NROUND = NSUP // NBUF - 1

TPT = 256
TPT_LAST = V - (NS - 1) * TPT

_mesh = plsc.VectorSubcoreMesh(core_axis_name="c", subcore_axis_name="s")


@functools.partial(
    pl.kernel,
    out_type=jax.ShapeDtypeStruct((B, D), jnp.float32),
    mesh=_mesh,
    scratch_types=[
        pltpu.VMEM((NBUF, W), jnp.int32),
        pltpu.VMEM((NBUF, W, HD), jnp.float32),
        pltpu.VMEM_SHARED((V, HD), jnp.float32),
        [pltpu.SemaphoreType.DMA] * NBUF,
        [pltpu.SemaphoreType.DMA] * NBUF,
    ],
)
def _gather_rows(idx_hbm, table_hbm, out_hbm, idx_v, rows_v, table_sp, sem_g, sem_w):
    cid = lax.axis_index("c")
    sid = lax.axis_index("s")
    base = sid * BPW
    col = cid * HD

    @pl.when(sid < NS - 1)
    def _():
        pltpu.sync_copy(
            table_hbm.at[pl.ds(sid * TPT, TPT), pl.ds(col, HD)],
            table_sp.at[pl.ds(sid * TPT, TPT)],
        )

    @pl.when(sid == NS - 1)
    def _():
        pltpu.sync_copy(
            table_hbm.at[pl.ds((NS - 1) * TPT, TPT_LAST), pl.ds(col, HD)],
            table_sp.at[pl.ds((NS - 1) * TPT, TPT_LAST)],
        )

    plsc.subcore_barrier()

    def start_gather(b):
        for h in range(2):
            pltpu.async_copy(
                table_sp.at[idx_v.at[b].at[pl.ds(h * C, C)]],
                rows_v.at[b].at[pl.ds(h * C, C)],
                sem_g[b],
            )

    def wait_gather(b):
        for h in range(2):
            pltpu.make_async_copy(
                table_sp.at[idx_v.at[b].at[pl.ds(h * C, C)]],
                rows_v.at[b].at[pl.ds(h * C, C)],
                sem_g[b],
            ).wait()

    def start_write(b, g):
        pltpu.async_copy(
            rows_v.at[b],
            out_hbm.at[pl.ds(base + g * W, W), pl.ds(col, HD)],
            sem_w[b],
        )

    def wait_write(b):
        pltpu.make_async_copy(
            rows_v.at[b], out_hbm.at[pl.ds(base, W), pl.ds(col, HD)], sem_w[b]
        ).wait()

    def load_idx(b, g):
        pltpu.sync_copy(idx_hbm.at[pl.ds(base + g * W, W)], idx_v.at[b])

    for b in range(NBUF):
        load_idx(b, b)
        start_gather(b)

    def round_body(r, carry):
        for b in range(NBUF):
            g = r * NBUF + b
            wait_gather(b)
            start_write(b, g)
            load_idx(b, g + NBUF)
            wait_write(b)
            start_gather(b)
        return carry

    lax.fori_loop(0, NROUND, round_body, 0)

    for b in range(NBUF):
        g = NROUND * NBUF + b
        wait_gather(b)
        start_write(b, g)
        wait_write(b)


def kernel(action_indices, table):
    idx = action_indices.reshape(-1)
    out = _gather_rows(idx, table)
    return out.reshape(action_indices.shape + (table.shape[1],))

# --- scband reference (transcript-rebuilt; emitter-appended) ---
"""Pipeline reference for scband-action-embedding-50792283243117 (READ-ONLY COPY).

The authoritative reference and input builder live on the scoring server;
editing this copy changes nothing except your own understanding.
"""

import jax, jax.numpy as jnp
import numpy as np


def setup_inputs(seed: int = 0) -> dict:
    key = jax.random.key(seed)
    k1, k2 = jax.random.split(key)
    action_indices = jax.random.randint(k1, (4096, 200), 0, 4101, dtype=jnp.int64 if jax.config.jax_enable_x64 else jnp.int32).astype(jnp.int32)
    table = jax.random.normal(k2, (4101, 256), dtype=jnp.float32)
    return {"action_indices": action_indices, "table": table}


def reference(action_indices, table):
    # nn.Embedding forward: gather rows of the table by index
    return jnp.take(table, action_indices, axis=0)

if __name__ == "__main__":
    import jax
    _d = setup_inputs()
    print(jax.jit(kernel)(*tuple(_d.values())))

</pallas_src>

<mosaic_0001>
#map = affine_map<(d0, d1) -> (0)>
#map1 = affine_map<(d0, d1) -> (0, 0)>
module attributes {stable_mosaic.version = 14 : i64} {
  func.func @_gather_rows(%arg0: i32, %arg1: i32, %arg2: memref<819200xi32, #tpu.memory_space<hbm>>, %arg3: memref<4101x256xf32, #tpu.memory_space<hbm>>, %arg4: memref<819200x256xf32, #tpu.memory_space<hbm>>, %arg5: memref<2x256xi32, #tpu.memory_space<vmem>>, %arg6: memref<2x256x128xf32, #tpu.memory_space<vmem>>, %arg7: memref<4101x128xf32, #tpu.memory_space<vmem_shared>>, %arg8: memref<!tpu.dma_semaphore, #tpu.memory_space<semaphore_mem>>, %arg9: memref<!tpu.dma_semaphore, #tpu.memory_space<semaphore_mem>>, %arg10: memref<!tpu.dma_semaphore, #tpu.memory_space<semaphore_mem>>, %arg11: memref<!tpu.dma_semaphore, #tpu.memory_space<semaphore_mem>>) attributes {dimension_semantics = [#tpu.dimension_semantics<core_parallel>, #tpu.dimension_semantics<subcore_parallel>], iteration_bounds = array<i64: 2, 16>, scalar_prefetch = 0 : i64, scratch_operands = 7 : i64, tpu.core_type = #tpu.core_type<sc_vector_subcore>, window_params = [{transform_indices = #map}, {transform_indices = #map1}, {transform_indices = #map1}]} {
    %mul3A = arith.constant 51200 : i32
    %mul3A_0 = arith.muli %arg1, %mul3A : i32
    %mul3A_1 = arith.constant 128 : i32
    %mul3A_2 = arith.muli %arg0, %mul3A_1 : i32
    %lt3A = arith.constant 15 : i32
    %lt3A_3 = arith.cmpi slt, %arg1, %lt3A : i32
    %convert_element_type3A = arith.extui %lt3A_3 : i1 to i32
    %cond3A = arith.constant 0 : i32
    %cond3A_4 = arith.cmpi ne, %convert_element_type3A, %cond3A : i32
    scf.if %cond3A_4 {
      %mul3A_200 = arith.constant 256 : i32
      %mul3A_201 = arith.muli %arg1, %mul3A_200 : i32
      %mul3A_202 = arith.constant 256 : i32
      %mul3A_203 = arith.muli %arg1, %mul3A_202 : i32
      "tpu.region"() ({
        %run_scoped3A_204 = tpu.sem_alloc : memref<!tpu.dma_semaphore, #tpu.memory_space<semaphore_mem>>
        %dma_start3A_205 = arith.constant 0 : i32
        %dma_start3A_206 = tpu.memref_slice %arg7[%mul3A_203, %dma_start3A_205] : memref<4101x128xf32, #tpu.memory_space<vmem_shared>> -> memref<256x128xf32, #tpu.memory_space<vmem_shared>>
        %dma_start3A_207 = tpu.memref_slice %arg3[%mul3A_201, %mul3A_2] : memref<4101x256xf32, #tpu.memory_space<hbm>> -> memref<256x128xf32, #tpu.memory_space<hbm>>
        tpu.enqueue_dma source(%dma_start3A_207 : memref<256x128xf32, #tpu.memory_space<hbm>>) target(%dma_start3A_206 : memref<256x128xf32, #tpu.memory_space<vmem_shared>>) target_semaphore(%run_scoped3A_204 : memref<!tpu.dma_semaphore, #tpu.memory_space<semaphore_mem>>)
        %dma_wait3A_208 = arith.constant 0 : i32
        %dma_wait3A_209 = tpu.memref_slice %arg7[%mul3A_203, %dma_wait3A_208] : memref<4101x128xf32, #tpu.memory_space<vmem_shared>> -> memref<256x128xf32, #tpu.memory_space<vmem_shared>>
        %dma_wait3A_210 = tpu.memref_slice %arg3[%mul3A_201, %mul3A_2] : memref<4101x256xf32, #tpu.memory_space<hbm>> -> memref<256x128xf32, #tpu.memory_space<hbm>>
        tpu.wait_dma2 semaphore(%run_scoped3A_204 : memref<!tpu.dma_semaphore, #tpu.memory_space<semaphore_mem>>) src(%dma_wait3A_210 : memref<256x128xf32, #tpu.memory_space<hbm>>) dst(%dma_wait3A_209 : memref<256x128xf32, #tpu.memory_space<vmem_shared>>)
        tpu.yield
      }) : () -> ()
    } else {
    }
    %eq3A = arith.constant 15 : i32
    %eq3A_5 = arith.cmpi eq, %arg1, %eq3A : i32
    %convert_element_type3A_6 = arith.extui %eq3A_5 : i1 to i32
    %cond3A_7 = arith.constant 0 : i32
    %cond3A_8 = arith.cmpi ne, %convert_element_type3A_6, %cond3A_7 : i32
    scf.if %cond3A_8 {
      "tpu.region"() ({
        %run_scoped3A_200 = tpu.sem_alloc : memref<!tpu.dma_semaphore, #tpu.memory_space<semaphore_mem>>
        %dma_start3A_201 = arith.constant 3840 : i32
        %dma_start3A_202 = arith.constant 0 : i32
        %dma_start3A_203 = tpu.memref_slice %arg7[%dma_start3A_201, %dma_start3A_202] : memref<4101x128xf32, #tpu.memory_space<vmem_shared>> -> memref<261x128xf32, #tpu.memory_space<vmem_shared>>
        %dma_start3A_204 = arith.constant 3840 : i32
        %dma_start3A_205 = tpu.memref_slice %arg3[%dma_start3A_204, %mul3A_2] : memref<4101x256xf32, #tpu.memory_space<hbm>> -> memref<261x128xf32, #tpu.memory_space<hbm>>
        tpu.enqueue_dma source(%dma_start3A_205 : memref<261x128xf32, #tpu.memory_space<hbm>>) target(%dma_start3A_203 : memref<261x128xf32, #tpu.memory_space<vmem_shared>>) target_semaphore(%run_scoped3A_200 : memref<!tpu.dma_semaphore, #tpu.memory_space<semaphore_mem>>)
        %dma_wait3A_206 = arith.constant 3840 : i32
        %dma_wait3A_207 = arith.constant 0 : i32
        %dma_wait3A_208 = tpu.memref_slice %arg7[%dma_wait3A_206, %dma_wait3A_207] : memref<4101x128xf32, #tpu.memory_space<vmem_shared>> -> memref<261x128xf32, #tpu.memory_space<vmem_shared>>
        %dma_wait3A_209 = arith.constant 3840 : i32
        %dma_wait3A_210 = tpu.memref_slice %arg3[%dma_wait3A_209, %mul3A_2] : memref<4101x256xf32, #tpu.memory_space<hbm>> -> memref<261x128xf32, #tpu.memory_space<hbm>>
        tpu.wait_dma2 semaphore(%run_scoped3A_200 : memref<!tpu.dma_semaphore, #tpu.memory_space<semaphore_mem>>) src(%dma_wait3A_210 : memref<261x128xf32, #tpu.memory_space<hbm>>) dst(%dma_wait3A_208 : memref<261x128xf32, #tpu.memory_space<vmem_shared>>)
        tpu.yield
      }) : () -> ()
    } else {
    }
    %barrier3A = arith.constant 0 : index
    tpu.barrier barrier_id(%barrier3A)
    %add3A = arith.constant 0 : i32
    %add3A_9 = arith.addi %mul3A_0, %add3A : i32
    %run_scoped3A = arith.constant 0 : i32
    "tpu.region"() ({
      %run_scoped3A_200 = tpu.sem_alloc : memref<!tpu.dma_semaphore, #tpu.memory_space<semaphore_mem>>
      %dma_start3A_201 = arith.constant 0 : i32
      %dma_start3A_202 = tpu.memref_slice %arg5[%run_scoped3A, %dma_start3A_201] : memref<2x256xi32, #tpu.memory_space<vmem>> -> memref<1x256xi32, #tpu.memory_space<vmem>>
      %dma_start3A_203 = tpu.memref_squeeze %dma_start3A_202 : memref<1x256xi32, #tpu.memory_space<vmem>> -> memref<256xi32, #tpu.memory_space<vmem>>
      %dma_start3A_204 = tpu.memref_slice %arg2[%add3A_9] : memref<819200xi32, #tpu.memory_space<hbm>> -> memref<256xi32, #tpu.memory_space<hbm>>
      %dma_start3A_205 = arith.constant 0 : i32
      %dma_start3A_206 = tpu.memref_slice %arg5[%run_scoped3A, %dma_start3A_205] : memref<2x256xi32, #tpu.memory_space<vmem>> -> memref<1x256xi32, #tpu.memory_space<vmem>>
      %dma_start3A_207 = tpu.memref_squeeze %dma_start3A_206 : memref<1x256xi32, #tpu.memory_space<vmem>> -> memref<256xi32, #tpu.memory_space<vmem>>
      %dma_start3A_208 = tpu.memref_slice %arg2[%add3A_9] : memref<819200xi32, #tpu.memory_space<hbm>> -> memref<256xi32, #tpu.memory_space<hbm>>
      tpu.enqueue_dma source(%dma_start3A_208 : memref<256xi32, #tpu.memory_space<hbm>>) target(%dma_start3A_207 : memref<256xi32, #tpu.memory_space<vmem>>) target_semaphore(%run_scoped3A_200 : memref<!tpu.dma_semaphore, #tpu.memory_space<semaphore_mem>>)
      %dma_wait3A_209 = arith.constant 0 : i32
      %dma_wait3A_210 = tpu.memref_slice %arg5[%run_scoped3A, %dma_wait3A_209] : memref<2x256xi32, #tpu.memory_space<vmem>> -> memref<1x256xi32, #tpu.memory_space<vmem>>
      %dma_wait3A_211 = tpu.memref_squeeze %dma_wait3A_210 : memref<1x256xi32, #tpu.memory_space<vmem>> -> memref<256xi32, #tpu.memory_space<vmem>>
      %dma_wait3A_212 = tpu.memref_slice %arg2[%add3A_9] : memref<819200xi32, #tpu.memory_space<hbm>> -> memref<256xi32, #tpu.memory_space<hbm>>
      %dma_wait3A_213 = arith.constant 0 : i32
      %dma_wait3A_214 = tpu.memref_slice %arg5[%run_scoped3A, %dma_wait3A_213] : memref<2x256xi32, #tpu.memory_space<vmem>> -> memref<1x256xi32, #tpu.memory_space<vmem>>
      %dma_wait3A_215 = tpu.memref_squeeze %dma_wait3A_214 : memref<1x256xi32, #tpu.memory_space<vmem>> -> memref<256xi32, #tpu.memory_space<vmem>>
      %dma_wait3A_216 = tpu.memref_slice %arg2[%add3A_9] : memref<819200xi32, #tpu.memory_space<hbm>> -> memref<256xi32, #tpu.memory_space<hbm>>
      tpu.wait_dma2 semaphore(%run_scoped3A_200 : memref<!tpu.dma_semaphore, #tpu.memory_space<semaphore_mem>>) src(%dma_wait3A_216 : memref<256xi32, #tpu.memory_space<hbm>>) dst(%dma_wait3A_215 : memref<256xi32, #tpu.memory_space<vmem>>)
      tpu.yield
    }) : () -> ()
    %dma_start3A = arith.constant 0 : i32
    %dma_start3A_10 = arith.constant 0 : i32
    %dma_start3A_11 = arith.constant 0 : i32
    %dma_start3A_12 = arith.constant 0 : i32
    %dma_start3A_13 = tpu.memref_slice %arg6[%dma_start3A_10, %dma_start3A_11, %dma_start3A_12] : memref<2x256x128xf32, #tpu.memory_space<vmem>> -> memref<1x256x128xf32, #tpu.memory_space<vmem>>
    %dma_start3A_14 = tpu.memref_squeeze %dma_start3A_13 : memref<1x256x128xf32, #tpu.memory_space<vmem>> -> memref<256x128xf32, #tpu.memory_space<vmem>>
    %dma_start3A_15 = arith.constant 0 : i32
    %dma_start3A_16 = arith.constant 0 : i32
    %dma_start3A_17 = tpu.memref_slice %dma_start3A_14[%dma_start3A_15, %dma_start3A_16] : memref<256x128xf32, #tpu.memory_space<vmem>> -> memref<128x128xf32, #tpu.memory_space<vmem>>
    %dma_start3A_18 = arith.constant 0 : i32
    %dma_start3A_19 = tpu.memref_slice %arg5[%dma_start3A, %dma_start3A_18] : memref<2x256xi32, #tpu.memory_space<vmem>> -> memref<1x256xi32, #tpu.memory_space<vmem>>
    %dma_start3A_20 = tpu.memref_squeeze %dma_start3A_19 : memref<1x256xi32, #tpu.memory_space<vmem>> -> memref<256xi32, #tpu.memory_space<vmem>>
    %dma_start3A_21 = arith.constant 0 : i32
    %dma_start3A_22 = tpu.memref_slice %dma_start3A_20[%dma_start3A_21] : memref<256xi32, #tpu.memory_space<vmem>> -> memref<128xi32, #tpu.memory_space<vmem>>
    %dma_start3A_23 = arith.constant 0 : i32
    %dma_start3A_24 = arith.constant 0 : i32
    %dma_start3A_25 = tpu.memref_slice %arg7[%dma_start3A_23, %dma_start3A_24] : memref<4101x128xf32, #tpu.memory_space<vmem_shared>> -> memref<4101x128xf32, #tpu.memory_space<vmem_shared>>
    tpu.enqueue_indirect_dma source(%dma_start3A_25 : memref<4101x128xf32, #tpu.memory_space<vmem_shared>>) target(%dma_start3A_17 : memref<128x128xf32, #tpu.memory_space<vmem>>) offsets(%dma_start3A_22 : memref<128xi32, #tpu.memory_space<vmem>>) semaphore(%arg8 : memref<!tpu.dma_semaphore, #tpu.memory_space<semaphore_mem>>)
    %dma_start3A_26 = arith.constant 0 : i32
    %dma_start3A_27 = arith.constant 0 : i32
    %dma_start3A_28 = arith.constant 0 : i32
    %dma_start3A_29 = arith.constant 0 : i32
    %dma_start3A_30 = tpu.memref_slice %arg6[%dma_start3A_27, %dma_start3A_28, %dma_start3A_29] : memref<2x256x128xf32, #tpu.memory_space<vmem>> -> memref<1x256x128xf32, #tpu.memory_space<vmem>>
    %dma_start3A_31 = tpu.memref_squeeze %dma_start3A_30 : memref<1x256x128xf32, #tpu.memory_space<vmem>> -> memref<256x128xf32, #tpu.memory_space<vmem>>
    %dma_start3A_32 = arith.constant 128 : i32
    %dma_start3A_33 = arith.constant 0 : i32
    %dma_start3A_34 = tpu.memref_slice %dma_start3A_31[%dma_start3A_32, %dma_start3A_33] : memref<256x128xf32, #tpu.memory_space<vmem>> -> memref<128x128xf32, #tpu.memory_space<vmem>>
    %dma_start3A_35 = arith.constant 0 : i32
    %dma_start3A_36 = tpu.memref_slice %arg5[%dma_start3A_26, %dma_start3A_35] : memref<2x256xi32, #tpu.memory_space<vmem>> -> memref<1x256xi32, #tpu.memory_space<vmem>>
    %dma_start3A_37 = tpu.memref_squeeze %dma_start3A_36 : memref<1x256xi32, #tpu.memory_space<vmem>> -> memref<256xi32, #tpu.memory_space<vmem>>
    %dma_start3A_38 = arith.constant 128 : i32
    %dma_start3A_39 = tpu.memref_slice %dma_start3A_37[%dma_start3A_38] : memref<256xi32, #tpu.memory_space<vmem>> -> memref<128xi32, #tpu.memory_space<vmem>>
    %dma_start3A_40 = arith.constant 0 : i32
    %dma_start3A_41 = arith.constant 0 : i32
    %dma_start3A_42 = tpu.memref_slice %arg7[%dma_start3A_40, %dma_start3A_41] : memref<4101x128xf32, #tpu.memory_space<vmem_shared>> -> memref<4101x128xf32, #tpu.memory_space<vmem_shared>>
    tpu.enqueue_indirect_dma source(%dma_start3A_42 : memref<4101x128xf32, #tpu.memory_space<vmem_shared>>) target(%dma_start3A_34 : memref<128x128xf32, #tpu.memory_space<vmem>>) offsets(%dma_start3A_39 : memref<128xi32, #tpu.memory_space<vmem>>) semaphore(%arg8 : memref<!tpu.dma_semaphore, #tpu.memory_space<semaphore_mem>>)
    %add3A_43 = arith.constant 256 : i32
    %add3A_44 = arith.addi %mul3A_0, %add3A_43 : i32
    %run_scoped3A_45 = arith.constant 1 : i32
    "tpu.region"() ({
      %run_scoped3A_200 = tpu.sem_alloc : memref<!tpu.dma_semaphore, #tpu.memory_space<semaphore_mem>>
      %dma_start3A_201 = arith.constant 0 : i32
      %dma_start3A_202 = tpu.memref_slice %arg5[%run_scoped3A_45, %dma_start3A_201] : memref<2x256xi32, #tpu.memory_space<vmem>> -> memref<1x256xi32, #tpu.memory_space<vmem>>
      %dma_start3A_203 = tpu.memref_squeeze %dma_start3A_202 : memref<1x256xi32, #tpu.memory_space<vmem>> -> memref<256xi32, #tpu.memory_space<vmem>>
      %dma_start3A_204 = tpu.memref_slice %arg2[%add3A_44] : memref<819200xi32, #tpu.memory_space<hbm>> -> memref<256xi32, #tpu.memory_space<hbm>>
      %dma_start3A_205 = arith.constant 0 : i32
      %dma_start3A_206 = tpu.memref_slice %arg5[%run_scoped3A_45, %dma_start3A_205] : memref<2x256xi32, #tpu.memory_space<vmem>> -> memref<1x256xi32, #tpu.memory_space<vmem>>
      %dma_start3A_207 = tpu.memref_squeeze %dma_start3A_206 : memref<1x256xi32, #tpu.memory_space<vmem>> -> memref<256xi32, #tpu.memory_space<vmem>>
      %dma_start3A_208 = tpu.memref_slice %arg2[%add3A_44] : memref<819200xi32, #tpu.memory_space<hbm>> -> memref<256xi32, #tpu.memory_space<hbm>>
      tpu.enqueue_dma source(%dma_start3A_208 : memref<256xi32, #tpu.memory_space<hbm>>) target(%dma_start3A_207 : memref<256xi32, #tpu.memory_space<vmem>>) target_semaphore(%run_scoped3A_200 : memref<!tpu.dma_semaphore, #tpu.memory_space<semaphore_mem>>)
      %dma_wait3A_209 = arith.constant 0 : i32
      %dma_wait3A_210 = tpu.memref_slice %arg5[%run_scoped3A_45, %dma_wait3A_209] : memref<2x256xi32, #tpu.memory_space<vmem>> -> memref<1x256xi32, #tpu.memory_space<vmem>>
      %dma_wait3A_211 = tpu.memref_squeeze %dma_wait3A_210 : memref<1x256xi32, #tpu.memory_space<vmem>> -> memref<256xi32, #tpu.memory_space<vmem>>
      %dma_wait3A_212 = tpu.memref_slice %arg2[%add3A_44] : memref<819200xi32, #tpu.memory_space<hbm>> -> memref<256xi32, #tpu.memory_space<hbm>>
      %dma_wait3A_213 = arith.constant 0 : i32
      %dma_wait3A_214 = tpu.memref_slice %arg5[%run_scoped3A_45, %dma_wait3A_213] : memref<2x256xi32, #tpu.memory_space<vmem>> -> memref<1x256xi32, #tpu.memory_space<vmem>>
      %dma_wait3A_215 = tpu.memref_squeeze %dma_wait3A_214 : memref<1x256xi32, #tpu.memory_space<vmem>> -> memref<256xi32, #tpu.memory_space<vmem>>
      %dma_wait3A_216 = tpu.memref_slice %arg2[%add3A_44] : memref<819200xi32, #tpu.memory_space<hbm>> -> memref<256xi32, #tpu.memory_space<hbm>>
      tpu.wait_dma2 semaphore(%run_scoped3A_200 : memref<!tpu.dma_semaphore, #tpu.memory_space<semaphore_mem>>) src(%dma_wait3A_216 : memref<256xi32, #tpu.memory_space<hbm>>) dst(%dma_wait3A_215 : memref<256xi32, #tpu.memory_space<vmem>>)
      tpu.yield
    }) : () -> ()
    %dma_start3A_46 = arith.constant 1 : i32
    %dma_start3A_47 = arith.constant 1 : i32
    %dma_start3A_48 = arith.constant 0 : i32
    %dma_start3A_49 = arith.constant 0 : i32
    %dma_start3A_50 = tpu.memref_slice %arg6[%dma_start3A_47, %dma_start3A_48, %dma_start3A_49] : memref<2x256x128xf32, #tpu.memory_space<vmem>> -> memref<1x256x128xf32, #tpu.memory_space<vmem>>
    %dma_start3A_51 = tpu.memref_squeeze %dma_start3A_50 : memref<1x256x128xf32, #tpu.memory_space<vmem>> -> memref<256x128xf32, #tpu.memory_space<vmem>>
    %dma_start3A_52 = arith.constant 0 : i32
    %dma_start3A_53 = arith.constant 0 : i32
    %dma_start3A_54 = tpu.memref_slice %dma_start3A_51[%dma_start3A_52, %dma_start3A_53] : memref<256x128xf32, #tpu.memory_space<vmem>> -> memref<128x128xf32, #tpu.memory_space<vmem>>
    %dma_start3A_55 = arith.constant 0 : i32
    %dma_start3A_56 = tpu.memref_slice %arg5[%dma_start3A_46, %dma_start3A_55] : memref<2x256xi32, #tpu.memory_space<vmem>> -> memref<1x256xi32, #tpu.memory_space<vmem>>
    %dma_start3A_57 = tpu.memref_squeeze %dma_start3A_56 : memref<1x256xi32, #tpu.memory_space<vmem>> -> memref<256xi32, #tpu.memory_space<vmem>>
    %dma_start3A_58 = arith.constant 0 : i32
    %dma_start3A_59 = tpu.memref_slice %dma_start3A_57[%dma_start3A_58] : memref<256xi32, #tpu.memory_space<vmem>> -> memref<128xi32, #tpu.memory_space<vmem>>
    %dma_start3A_60 = arith.constant 0 : i32
    %dma_start3A_61 = arith.constant 0 : i32
    %dma_start3A_62 = tpu.memref_slice %arg7[%dma_start3A_60, %dma_start3A_61] : memref<4101x128xf32, #tpu.memory_space<vmem_shared>> -> memref<4101x128xf32, #tpu.memory_space<vmem_shared>>
    tpu.enqueue_indirect_dma source(%dma_start3A_62 : memref<4101x128xf32, #tpu.memory_space<vmem_shared>>) target(%dma_start3A_54 : memref<128x128xf32, #tpu.memory_space<vmem>>) offsets(%dma_start3A_59 : memref<128xi32, #tpu.memory_space<vmem>>) semaphore(%arg9 : memref<!tpu.dma_semaphore, #tpu.memory_space<semaphore_mem>>)
    %dma_start3A_63 = arith.constant 1 : i32
    %dma_start3A_64 = arith.constant 1 : i32
    %dma_start3A_65 = arith.constant 0 : i32
    %dma_start3A_66 = arith.constant 0 : i32
    %dma_start3A_67 = tpu.memref_slice %arg6[%dma_start3A_64, %dma_start3A_65, %dma_start3A_66] : memref<2x256x128xf32, #tpu.memory_space<vmem>> -> memref<1x256x128xf32, #tpu.memory_space<vmem>>
    %dma_start3A_68 = tpu.memref_squeeze %dma_start3A_67 : memref<1x256x128xf32, #tpu.memory_space<vmem>> -> memref<256x128xf32, #tpu.memory_space<vmem>>
    %dma_start3A_69 = arith.constant 128 : i32
    %dma_start3A_70 = arith.constant 0 : i32
    %dma_start3A_71 = tpu.memref_slice %dma_start3A_68[%dma_start3A_69, %dma_start3A_70] : memref<256x128xf32, #tpu.memory_space<vmem>> -> memref<128x128xf32, #tpu.memory_space<vmem>>
    %dma_start3A_72 = arith.constant 0 : i32
    %dma_start3A_73 = tpu.memref_slice %arg5[%dma_start3A_63, %dma_start3A_72] : memref<2x256xi32, #tpu.memory_space<vmem>> -> memref<1x256xi32, #tpu.memory_space<vmem>>
    %dma_start3A_74 = tpu.memref_squeeze %dma_start3A_73 : memref<1x256xi32, #tpu.memory_space<vmem>> -> memref<256xi32, #tpu.memory_space<vmem>>
    %dma_start3A_75 = arith.constant 128 : i32
    %dma_start3A_76 = tpu.memref_slice %dma_start3A_74[%dma_start3A_75] : memref<256xi32, #tpu.memory_space<vmem>> -> memref<128xi32, #tpu.memory_space<vmem>>
    %dma_start3A_77 = arith.constant 0 : i32
    %dma_start3A_78 = arith.constant 0 : i32
    %dma_start3A_79 = tpu.memref_slice %arg7[%dma_start3A_77, %dma_start3A_78] : memref<4101x128xf32, #tpu.memory_space<vmem_shared>> -> memref<4101x128xf32, #tpu.memory_space<vmem_shared>>
    tpu.enqueue_indirect_dma source(%dma_start3A_79 : memref<4101x128xf32, #tpu.memory_space<vmem_shared>>) target(%dma_start3A_71 : memref<128x128xf32, #tpu.memory_space<vmem>>) offsets(%dma_start3A_76 : memref<128xi32, #tpu.memory_space<vmem>>) semaphore(%arg9 : memref<!tpu.dma_semaphore, #tpu.memory_space<semaphore_mem>>)
    %scan3A = arith.constant 0 : i32
    %scan3A_80 = arith.constant 0 : i32
    %scan3A_81 = arith.constant 99 : i32
    %scan3A_82 = arith.addi %scan3A_80, %scan3A_81 : i32
    %scan3A_83 = arith.constant 1 : i32
    scf.for %scan3A_200 = %scan3A_80 to %scan3A_82 step %scan3A_83  : i32 {
      %mul3A_201 = arith.constant 2 : i32
      %mul3A_202 = arith.muli %scan3A_200, %mul3A_201 : i32
      %add3A_203 = arith.constant 0 : i32
      %add3A_204 = arith.addi %mul3A_202, %add3A_203 : i32
      %dma_wait3A_205 = arith.constant 0 : i32
      %dma_wait3A_206 = arith.constant 0 : i32
      %dma_wait3A_207 = arith.constant 0 : i32
      %dma_wait3A_208 = arith.constant 0 : i32
      %dma_wait3A_209 = tpu.memref_slice %arg6[%dma_wait3A_206, %dma_wait3A_207, %dma_wait3A_208] : memref<2x256x128xf32, #tpu.memory_space<vmem>> -> memref<1x256x128xf32, #tpu.memory_space<vmem>>
      %dma_wait3A_210 = tpu.memref_squeeze %dma_wait3A_209 : memref<1x256x128xf32, #tpu.memory_space<vmem>> -> memref<256x128xf32, #tpu.memory_space<vmem>>
      %dma_wait3A_211 = arith.constant 0 : i32
      %dma_wait3A_212 = arith.constant 0 : i32
      %dma_wait3A_213 = tpu.memref_slice %dma_wait3A_210[%dma_wait3A_211, %dma_wait3A_212] : memref<256x128xf32, #tpu.memory_space<vmem>> -> memref<128x128xf32, #tpu.memory_space<vmem>>
      %dma_wait3A_214 = arith.constant 0 : i32
      %dma_wait3A_215 = tpu.memref_slice %arg5[%dma_wait3A_205, %dma_wait3A_214] : memref<2x256xi32, #tpu.memory_space<vmem>> -> memref<1x256xi32, #tpu.memory_space<vmem>>
      %dma_wait3A_216 = tpu.memref_squeeze %dma_wait3A_215 : memref<1x256xi32, #tpu.memory_space<vmem>> -> memref<256xi32, #tpu.memory_space<vmem>>
      %dma_wait3A_217 = arith.constant 0 : i32
      %dma_wait3A_218 = tpu.memref_slice %dma_wait3A_216[%dma_wait3A_217] : memref<256xi32, #tpu.memory_space<vmem>> -> memref<128xi32, #tpu.memory_space<vmem>>
      %dma_wait3A_219 = arith.constant 0 : i32
      %dma_wait3A_220 = arith.constant 0 : i32
      %dma_wait3A_221 = tpu.memref_slice %arg7[%dma_wait3A_219, %dma_wait3A_220] : memref<4101x128xf32, #tpu.memory_space<vmem_shared>> -> memref<4101x128xf32, #tpu.memory_space<vmem_shared>>
      tpu.wait_indirect_dma semaphore(%arg8 : memref<!tpu.dma_semaphore, #tpu.memory_space<semaphore_mem>>) src(%dma_wait3A_221 : memref<4101x128xf32, #tpu.memory_space<vmem_shared>>) dst(%dma_wait3A_213 : memref<128x128xf32, #tpu.memory_space<vmem>>)
      %dma_wait3A_222 = arith.constant 0 : i32
      %dma_wait3A_223 = arith.constant 0 : i32
      %dma_wait3A_224 = arith.constant 0 : i32
      %dma_wait3A_225 = arith.constant 0 : i32
      %dma_wait3A_226 = tpu.memref_slice %arg6[%dma_wait3A_223, %dma_wait3A_224, %dma_wait3A_225] : memref<2x256x128xf32, #tpu.memory_space<vmem>> -> memref<1x256x128xf32, #tpu.memory_space<vmem>>
      %dma_wait3A_227 = tpu.memref_squeeze %dma_wait3A_226 : memref<1x256x128xf32, #tpu.memory_space<vmem>> -> memref<256x128xf32, #tpu.memory_space<vmem>>
      %dma_wait3A_228 = arith.constant 128 : i32
      %dma_wait3A_229 = arith.constant 0 : i32
      %dma_wait3A_230 = tpu.memref_slice %dma_wait3A_227[%dma_wait3A_228, %dma_wait3A_229] : memref<256x128xf32, #tpu.memory_space<vmem>> -> memref<128x128xf32, #tpu.memory_space<vmem>>
      %dma_wait3A_231 = arith.constant 0 : i32
      %dma_wait3A_232 = tpu.memref_slice %arg5[%dma_wait3A_222, %dma_wait3A_231] : memref<2x256xi32, #tpu.memory_space<vmem>> -> memref<1x256xi32, #tpu.memory_space<vmem>>
      %dma_wait3A_233 = tpu.memref_squeeze %dma_wait3A_232 : memref<1x256xi32, #tpu.memory_space<vmem>> -> memref<256xi32, #tpu.memory_space<vmem>>
      %dma_wait3A_234 = arith.constant 128 : i32
      %dma_wait3A_235 = tpu.memref_slice %dma_wait3A_233[%dma_wait3A_234] : memref<256xi32, #tpu.memory_space<vmem>> -> memref<128xi32, #tpu.memory_space<vmem>>
      %dma_wait3A_236 = arith.constant 0 : i32
      %dma_wait3A_237 = arith.constant 0 : i32
      %dma_wait3A_238 = tpu.memref_slice %arg7[%dma_wait3A_236, %dma_wait3A_237] : memref<4101x128xf32, #tpu.memory_space<vmem_shared>> -> memref<4101x128xf32, #tpu.memory_space<vmem_shared>>
      tpu.wait_indirect_dma semaphore(%arg8 : memref<!tpu.dma_semaphore, #tpu.memory_space<semaphore_mem>>) src(%dma_wait3A_238 : memref<4101x128xf32, #tpu.memory_space<vmem_shared>>) dst(%dma_wait3A_230 : memref<128x128xf32, #tpu.memory_space<vmem>>)
      %mul3A_239 = arith.constant 256 : i32
      %mul3A_240 = arith.muli %add3A_204, %mul3A_239 : i32
      %add3A_241 = arith.addi %mul3A_0, %mul3A_240 : i32
      %dma_start3A_242 = arith.constant 0 : i32
      %dma_start3A_243 = arith.constant 0 : i32
      %dma_start3A_244 = arith.constant 0 : i32
      %dma_start3A_245 = tpu.memref_slice %arg6[%dma_start3A_242, %dma_start3A_243, %dma_start3A_244] : memref<2x256x128xf32, #tpu.memory_space<vmem>> -> memref<1x256x128xf32, #tpu.memory_space<vmem>>
      %dma_start3A_246 = tpu.memref_squeeze %dma_start3A_245 : memref<1x256x128xf32, #tpu.memory_space<vmem>> -> memref<256x128xf32, #tpu.memory_space<vmem>>
      %dma_start3A_247 = tpu.memref_slice %arg4[%add3A_241, %mul3A_2] : memref<819200x256xf32, #tpu.memory_space<hbm>> -> memref<256x128xf32, #tpu.memory_space<hbm>>
      %dma_start3A_248 = tpu.memref_slice %arg4[%add3A_241, %mul3A_2] : memref<819200x256xf32, #tpu.memory_space<hbm>> -> memref<256x128xf32, #tpu.memory_space<hbm>>
      %dma_start3A_249 = arith.constant 0 : i32
      %dma_start3A_250 = arith.constant 0 : i32
      %dma_start3A_251 = tpu.memref_slice %arg6[%dma_start3A_242, %dma_start3A_249, %dma_start3A_250] : memref<2x256x128xf32, #tpu.memory_space<vmem>> -> memref<1x256x128xf32, #tpu.memory_space<vmem>>
      %dma_start3A_252 = tpu.memref_squeeze %dma_start3A_251 : memref<1x256x128xf32, #tpu.memory_space<vmem>> -> memref<256x128xf32, #tpu.memory_space<vmem>>
      tpu.enqueue_dma source(%dma_start3A_252 : memref<256x128xf32, #tpu.memory_space<vmem>>) target(%dma_start3A_248 : memref<256x128xf32, #tpu.memory_space<hbm>>) target_semaphore(%arg10 : memref<!tpu.dma_semaphore, #tpu.memory_space<semaphore_mem>>)
      %add3A_253 = arith.constant 2 : i32
      %add3A_254 = arith.addi %add3A_204, %add3A_253 : i32
      %mul3A_255 = arith.constant 256 : i32
      %mul3A_256 = arith.muli %add3A_254, %mul3A_255 : i32
      %add3A_257 = arith.addi %mul3A_0, %mul3A_256 : i32
      %run_scoped3A_258 = arith.constant 0 : i32
      "tpu.region"() ({
        %run_scoped3A_407 = tpu.sem_alloc : memref<!tpu.dma_semaphore, #tpu.memory_space<semaphore_mem>>
        %dma_start3A_408 = arith.constant 0 : i32
        %dma_start3A_409 = tpu.memref_slice %arg5[%run_scoped3A_258, %dma_start3A_408] : memref<2x256xi32, #tpu.memory_space<vmem>> -> memref<1x256xi32, #tpu.memory_space<vmem>>
        %dma_start3A_410 = tpu.memref_squeeze %dma_start3A_409 : memref<1x256xi32, #tpu.memory_space<vmem>> -> memref<256xi32, #tpu.memory_space<vmem>>
        %dma_start3A_411 = tpu.memref_slice %arg2[%add3A_257] : memref<819200xi32, #tpu.memory_space<hbm>> -> memref<256xi32, #tpu.memory_space<hbm>>
        %dma_start3A_412 = arith.constant 0 : i32
        %dma_start3A_413 = tpu.memref_slice %arg5[%run_scoped3A_258, %dma_start3A_412] : memref<2x256xi32, #tpu.memory_space<vmem>> -> memref<1x256xi32, #tpu.memory_space<vmem>>
        %dma_start3A_414 = tpu.memref_squeeze %dma_start3A_413 : memref<1x256xi32, #tpu.memory_space<vmem>> -> memref<256xi32, #tpu.memory_space<vmem>>
        %dma_start3A_415 = tpu.memref_slice %arg2[%add3A_257] : memref<819200xi32, #tpu.memory_space<hbm>> -> memref<256xi32, #tpu.memory_space<hbm>>
        tpu.enqueue_dma source(%dma_start3A_415 : memref<256xi32, #tpu.memory_space<hbm>>) target(%dma_start3A_414 : memref<256xi32, #tpu.memory_space<vmem>>) target_semaphore(%run_scoped3A_407 : memref<!tpu.dma_semaphore, #tpu.memory_space<semaphore_mem>>)
        %dma_wait3A_416 = arith.constant 0 : i32
        %dma_wait3A_417 = tpu.memref_slice %arg5[%run_scoped3A_258, %dma_wait3A_416] : memref<2x256xi32, #tpu.memory_space<vmem>> -> memref<1x256xi32, #tpu.memory_space<vmem>>
        %dma_wait3A_418 = tpu.memref_squeeze %dma_wait3A_417 : memref<1x256xi32, #tpu.memory_space<vmem>> -> memref<256xi32, #tpu.memory_space<vmem>>
        %dma_wait3A_419 = tpu.memref_slice %arg2[%add3A_257] : memref<819200xi32, #tpu.memory_space<hbm>> -> memref<256xi32, #tpu.memory_space<hbm>>
        %dma_wait3A_420 = arith.constant 0 : i32
        %dma_wait3A_421 = tpu.memref_slice %arg5[%run_scoped3A_258, %dma_wait3A_420] : memref<2x256xi32, #tpu.memory_space<vmem>> -> memref<1x256xi32, #tpu.memory_space<vmem>>
        %dma_wait3A_422 = tpu.memref_squeeze %dma_wait3A_421 : memref<1x256xi32, #tpu.memory_space<vmem>> -> memref<256xi32, #tpu.memory_space<vmem>>
        %dma_wait3A_423 = tpu.memref_slice %arg2[%add3A_257] : memref<819200xi32, #tpu.memory_space<hbm>> -> memref<256xi32, #tpu.memory_space<hbm>>
        tpu.wait_dma2 semaphore(%run_scoped3A_407 : memref<!tpu.dma_semaphore, #tpu.memory_space<semaphore_mem>>) src(%dma_wait3A_423 : memref<256xi32, #tpu.memory_space<hbm>>) dst(%dma_wait3A_422 : memref<256xi32, #tpu.memory_space<vmem>>)
        tpu.yield
      }) : () -> ()
      %dma_wait3A_259 = arith.constant 0 : i32
      %dma_wait3A_260 = arith.constant 0 : i32
      %dma_wait3A_261 = arith.constant 0 : i32
      %dma_wait3A_262 = tpu.memref_slice %arg6[%dma_wait3A_259, %dma_wait3A_260, %dma_wait3A_261] : memref<2x256x128xf32, #tpu.memory_space<vmem>> -> memref<1x256x128xf32, #tpu.memory_space<vmem>>
      %dma_wait3A_263 = tpu.memref_squeeze %dma_wait3A_262 : memref<1x256x128xf32, #tpu.memory_space<vmem>> -> memref<256x128xf32, #tpu.memory_space<vmem>>
      %dma_wait3A_264 = tpu.memref_slice %arg4[%mul3A_0, %mul3A_2] : memref<819200x256xf32, #tpu.memory_space<hbm>> -> memref<256x128xf32, #tpu.memory_space<hbm>>
      %dma_wait3A_265 = tpu.memref_slice %arg4[%mul3A_0, %mul3A_2] : memref<819200x256xf32, #tpu.memory_space<hbm>> -> memref<256x128xf32, #tpu.memory_space<hbm>>
      %dma_wait3A_266 = arith.constant 0 : i32
      %dma_wait3A_267 = arith.constant 0 : i32
      %dma_wait3A_268 = tpu.memref_slice %arg6[%dma_wait3A_259, %dma_wait3A_266, %dma_wait3A_267] : memref<2x256x128xf32, #tpu.memory_space<vmem>> -> memref<1x256x128xf32, #tpu.memory_space<vmem>>
      %dma_wait3A_269 = tpu.memref_squeeze %dma_wait3A_268 : memref<1x256x128xf32, #tpu.memory_space<vmem>> -> memref<256x128xf32, #tpu.memory_space<vmem>>
      tpu.wait_dma2 semaphore(%arg10 : memref<!tpu.dma_semaphore, #tpu.memory_space<semaphore_mem>>) src(%dma_wait3A_269 : memref<256x128xf32, #tpu.memory_space<vmem>>) dst(%dma_wait3A_265 : memref<256x128xf32, #tpu.memory_space<hbm>>)
      %dma_start3A_270 = arith.constant 0 : i32
      %dma_start3A_271 = arith.constant 0 : i32
      %dma_start3A_272 = arith.constant 0 : i32
      %dma_start3A_273 = arith.constant 0 : i32
      %dma_start3A_274 = tpu.memref_slice %arg6[%dma_start3A_271, %dma_start3A_272, %dma_start3A_273] : memref<2x256x128xf32, #tpu.memory_space<vmem>> -> memref<1x256x128xf32, #tpu.memory_space<vmem>>
      %dma_start3A_275 = tpu.memref_squeeze %dma_start3A_274 : memref<1x256x128xf32, #tpu.memory_space<vmem>> -> memref<256x128xf32, #tpu.memory_space<vmem>>
      %dma_start3A_276 = arith.constant 0 : i32
      %dma_start3A_277 = arith.constant 0 : i32
      %dma_start3A_278 = tpu.memref_slice %dma_start3A_275[%dma_start3A_276, %dma_start3A_277] : memref<256x128xf32, #tpu.memory_space<vmem>> -> memref<128x128xf32, #tpu.memory_space<vmem>>
      %dma_start3A_279 = arith.constant 0 : i32
      %dma_start3A_280 = tpu.memref_slice %arg5[%dma_start3A_270, %dma_start3A_279] : memref<2x256xi32, #tpu.memory_space<vmem>> -> memref<1x256xi32, #tpu.memory_space<vmem>>
      %dma_start3A_281 = tpu.memref_squeeze %dma_start3A_280 : memref<1x256xi32, #tpu.memory_space<vmem>> -> memref<256xi32, #tpu.memory_space<vmem>>
      %dma_start3A_282 = arith.constant 0 : i32
      %dma_start3A_283 = tpu.memref_slice %dma_start3A_281[%dma_start3A_282] : memref<256xi32, #tpu.memory_space<vmem>> -> memref<128xi32, #tpu.memory_space<vmem>>
      %dma_start3A_284 = arith.constant 0 : i32
      %dma_start3A_285 = arith.constant 0 : i32
      %dma_start3A_286 = tpu.memref_slice %arg7[%dma_start3A_284, %dma_start3A_285] : memref<4101x128xf32, #tpu.memory_space<vmem_shared>> -> memref<4101x128xf32, #tpu.memory_space<vmem_shared>>
      tpu.enqueue_indirect_dma source(%dma_start3A_286 : memref<4101x128xf32, #tpu.memory_space<vmem_shared>>) target(%dma_start3A_278 : memref<128x128xf32, #tpu.memory_space<vmem>>) offsets(%dma_start3A_283 : memref<128xi32, #tpu.memory_space<vmem>>) semaphore(%arg8 : memref<!tpu.dma_semaphore, #tpu.memory_space<semaphore_mem>>)
      %dma_start3A_287 = arith.constant 0 : i32
      %dma_start3A_288 = arith.constant 0 : i32
      %dma_start3A_289 = arith.constant 0 : i32
      %dma_start3A_290 = arith.constant 0 : i32
      %dma_start3A_291 = tpu.memref_slice %arg6[%dma_start3A_288, %dma_start3A_289, %dma_start3A_290] : memref<2x256x128xf32, #tpu.memory_space<vmem>> -> memref<1x256x128xf32, #tpu.memory_space<vmem>>
      %dma_start3A_292 = tpu.memref_squeeze %dma_start3A_291 : memref<1x256x128xf32, #tpu.memory_space<vmem>> -> memref<256x128xf32, #tpu.memory_space<vmem>>
      %dma_start3A_293 = arith.constant 128 : i32
      %dma_start3A_294 = arith.constant 0 : i32
      %dma_start3A_295 = tpu.memref_slice %dma_start3A_292[%dma_start3A_293, %dma_start3A_294] : memref<256x128xf32, #tpu.memory_space<vmem>> -> memref<128x128xf32, #tpu.memory_space<vmem>>
      %dma_start3A_296 = arith.constant 0 : i32
      %dma_start3A_297 = tpu.memref_slice %arg5[%dma_start3A_287, %dma_start3A_296] : memref<2x256xi32, #tpu.memory_space<vmem>> -> memref<1x256xi32, #tpu.memory_space<vmem>>
      %dma_start3A_298 = tpu.memref_squeeze %dma_start3A_297 : memref<1x256xi32, #tpu.memory_space<vmem>> -> memref<256xi32, #tpu.memory_space<vmem>>
      %dma_start3A_299 = arith.constant 128 : i32
      %dma_start3A_300 = tpu.memref_slice %dma_start3A_298[%dma_start3A_299] : memref<256xi32, #tpu.memory_space<vmem>> -> memref<128xi32, #tpu.memory_space<vmem>>
      %dma_start3A_301 = arith.constant 0 : i32
      %dma_start3A_302 = arith.constant 0 : i32
      %dma_start3A_303 = tpu.memref_slice %arg7[%dma_start3A_301, %dma_start3A_302] : memref<4101x128xf32, #tpu.memory_space<vmem_shared>> -> memref<4101x128xf32, #tpu.memory_space<vmem_shared>>
      tpu.enqueue_indirect_dma source(%dma_start3A_303 : memref<4101x128xf32, #tpu.memory_space<vmem_shared>>) target(%dma_start3A_295 : memref<128x128xf32, #tpu.memory_space<vmem>>) offsets(%dma_start3A_300 : memref<128xi32, #tpu.memory_space<vmem>>) semaphore(%arg8 : memref<!tpu.dma_semaphore, #tpu.memory_space<semaphore_mem>>)
      %mul3A_304 = arith.constant 2 : i32
      %mul3A_305 = arith.muli %scan3A_200, %mul3A_304 : i32
      %add3A_306 = arith.constant 1 : i32
      %add3A_307 = arith.addi %mul3A_305, %add3A_306 : i32
      %dma_wait3A_308 = arith.constant 1 : i32
      %dma_wait3A_309 = arith.constant 1 : i32
      %dma_wait3A_310 = arith.constant 0 : i32
      %dma_wait3A_311 = arith.constant 0 : i32
      %dma_wait3A_312 = tpu.memref_slice %arg6[%dma_wait3A_309, %dma_wait3A_310, %dma_wait3A_311] : memref<2x256x128xf32, #tpu.memory_space<vmem>> -> memref<1x256x128xf32, #tpu.memory_space<vmem>>
      %dma_wait3A_313 = tpu.memref_squeeze %dma_wait3A_312 : memref<1x256x128xf32, #tpu.memory_space<vmem>> -> memref<256x128xf32, #tpu.memory_space<vmem>>
      %dma_wait3A_314 = arith.constant 0 : i32
      %dma_wait3A_315 = arith.constant 0 : i32
      %dma_wait3A_316 = tpu.memref_slice %dma_wait3A_313[%dma_wait3A_314, %dma_wait3A_315] : memref<256x128xf32, #tpu.memory_space<vmem>> -> memref<128x128xf32, #tpu.memory_space<vmem>>
      %dma_wait3A_317 = arith.constant 0 : i32
      %dma_wait3A_318 = tpu.memref_slice %arg5[%dma_wait3A_308, %dma_wait3A_317] : memref<2x256xi32, #tpu.memory_space<vmem>> -> memref<1x256xi32, #tpu.memory_space<vmem>>
      %dma_wait3A_319 = tpu.memref_squeeze %dma_wait3A_318 : memref<1x256xi32, #tpu.memory_space<vmem>> -> memref<256xi32, #tpu.memory_space<vmem>>
      %dma_wait3A_320 = arith.constant 0 : i32
      %dma_wait3A_321 = tpu.memref_slice %dma_wait3A_319[%dma_wait3A_320] : memref<256xi32, #tpu.memory_space<vmem>> -> memref<128xi32, #tpu.memory_space<vmem>>
      %dma_wait3A_322 = arith.constant 0 : i32
      %dma_wait3A_323 = arith.constant 0 : i32
      %dma_wait3A_324 = tpu.memref_slice %arg7[%dma_wait3A_322, %dma_wait3A_323] : memref<4101x128xf32, #tpu.memory_space<vmem_shared>> -> memref<4101x128xf32, #tpu.memory_space<vmem_shared>>
      tpu.wait_indirect_dma semaphore(%arg9 : memref<!tpu.dma_semaphore, #tpu.memory_space<semaphore_mem>>) src(%dma_wait3A_324 : memref<4101x128xf32, #tpu.memory_space<vmem_shared>>) dst(%dma_wait3A_316 : memref<128x128xf32, #tpu.memory_space<vmem>>)
      %dma_wait3A_325 = arith.constant 1 : i32
      %dma_wait3A_326 = arith.constant 1 : i32
      %dma_wait3A_327 = arith.constant 0 : i32
      %dma_wait3A_328 = arith.constant 0 : i32
      %dma_wait3A_329 = tpu.memref_slice %arg6[%dma_wait3A_326, %dma_wait3A_327, %dma_wait3A_328] : memref<2x256x128xf32, #tpu.memory_space<vmem>> -> memref<1x256x128xf32, #tpu.memory_space<vmem>>
      %dma_wait3A_330 = tpu.memref_squeeze %dma_wait3A_329 : memref<1x256x128xf32, #tpu.memory_space<vmem>> -> memref<256x128xf32, #tpu.memory_space<vmem>>
      %dma_wait3A_331 = arith.constant 128 : i32
      %dma_wait3A_332 = arith.constant 0 : i32
      %dma_wait3A_333 = tpu.memref_slice %dma_wait3A_330[%dma_wait3A_331, %dma_wait3A_332] : memref<256x128xf32, #tpu.memory_space<vmem>> -> memref<128x128xf32, #tpu.memory_space<vmem>>
      %dma_wait3A_334 = arith.constant 0 : i32
      %dma_wait3A_335 = tpu.memref_slice %arg5[%dma_wait3A_325, %dma_wait3A_334] : memref<2x256xi32, #tpu.memory_space<vmem>> -> memref<1x256xi32, #tpu.memory_space<vmem>>
      %dma_wait3A_336 = tpu.memref_squeeze %dma_wait3A_335 : memref<1x256xi32, #tpu.memory_space<vmem>> -> memref<256xi32, #tpu.memory_space<vmem>>
      %dma_wait3A_337 = arith.constant 128 : i32
      %dma_wait3A_338 = tpu.memref_slice %dma_wait3A_336[%dma_wait3A_337] : memref<256xi32, #tpu.memory_space<vmem>> -> memref<128xi32, #tpu.memory_space<vmem>>
      %dma_wait3A_339 = arith.constant 0 : i32
      %dma_wait3A_340 = arith.constant 0 : i32
      %dma_wait3A_341 = tpu.memref_slice %arg7[%dma_wait3A_339, %dma_wait3A_340] : memref<4101x128xf32, #tpu.memory_space<vmem_shared>> -> memref<4101x128xf32, #tpu.memory_space<vmem_shared>>
      tpu.wait_indirect_dma semaphore(%arg9 : memref<!tpu.dma_semaphore, #tpu.memory_space<semaphore_mem>>) src(%dma_wait3A_341 : memref<4101x128xf32, #tpu.memory_space<vmem_shared>>) dst(%dma_wait3A_333 : memref<128x128xf32, #tpu.memory_space<vmem>>)
      %mul3A_342 = arith.constant 256 : i32
      %mul3A_343 = arith.muli %add3A_307, %mul3A_342 : i32
      %add3A_344 = arith.addi %mul3A_0, %mul3A_343 : i32
      %dma_start3A_345 = arith.constant 1 : i32
      %dma_start3A_346 = arith.constant 0 : i32
      %dma_start3A_347 = arith.constant 0 : i32
      %dma_start3A_348 = tpu.memref_slice %arg6[%dma_start3A_345, %dma_start3A_346, %dma_start3A_347] : memref<2x256x128xf32, #tpu.memory_space<vmem>> -> memref<1x256x128xf32, #tpu.memory_space<vmem>>
      %dma_start3A_349 = tpu.memref_squeeze %dma_start3A_348 : memref<1x256x128xf32, #tpu.memory_space<vmem>> -> memref<256x128xf32, #tpu.memory_space<vmem>>
      %dma_start3A_350 = tpu.memref_slice %arg4[%add3A_344, %mul3A_2] : memref<819200x256xf32, #tpu.memory_space<hbm>> -> memref<256x128xf32, #tpu.memory_space<hbm>>
      %dma_start3A_351 = tpu.memref_slice %arg4[%add3A_344, %mul3A_2] : memref<819200x256xf32, #tpu.memory_space<hbm>> -> memref<256x128xf32, #tpu.memory_space<hbm>>
      %dma_start3A_352 = arith.constant 0 : i32
      %dma_start3A_353 = arith.constant 0 : i32
      %dma_start3A_354 = tpu.memref_slice %arg6[%dma_start3A_345, %dma_start3A_352, %dma_start3A_353] : memref<2x256x128xf32, #tpu.memory_space<vmem>> -> memref<1x256x128xf32, #tpu.memory_space<vmem>>
      %dma_start3A_355 = tpu.memref_squeeze %dma_start3A_354 : memref<1x256x128xf32, #tpu.memory_space<vmem>> -> memref<256x128xf32, #tpu.memory_space<vmem>>
      tpu.enqueue_dma source(%dma_start3A_355 : memref<256x128xf32, #tpu.memory_space<vmem>>) target(%dma_start3A_351 : memref<256x128xf32, #tpu.memory_space<hbm>>) target_semaphore(%arg11 : memref<!tpu.dma_semaphore, #tpu.memory_space<semaphore_mem>>)
      %add3A_356 = arith.constant 2 : i32
      %add3A_357 = arith.addi %add3A_307, %add3A_356 : i32
      %mul3A_358 = arith.constant 256 : i32
      %mul3A_359 = arith.muli %add3A_357, %mul3A_358 : i32
      %add3A_360 = arith.addi %mul3A_0, %mul3A_359 : i32
      %run_scoped3A_361 = arith.constant 1 : i32
      "tpu.region"() ({
        %run_scoped3A_407 = tpu.sem_alloc : memref<!tpu.dma_semaphore, #tpu.memory_space<semaphore_mem>>
        %dma_start3A_408 = arith.constant 0 : i32
        %dma_start3A_409 = tpu.memref_slice %arg5[%run_scoped3A_361, %dma_start3A_408] : memref<2x256xi32, #tpu.memory_space<vmem>> -> memref<1x256xi32, #tpu.memory_space<vmem>>
        %dma_start3A_410 = tpu.memref_squeeze %dma_start3A_409 : memref<1x256xi32, #tpu.memory_space<vmem>> -> memref<256xi32, #tpu.memory_space<vmem>>
        %dma_start3A_411 = tpu.memref_slice %arg2[%add3A_360] : memref<819200xi32, #tpu.memory_space<hbm>> -> memref<256xi32, #tpu.memory_space<hbm>>
        %dma_start3A_412 = arith.constant 0 : i32
        %dma_start3A_413 = tpu.memref_slice %arg5[%run_scoped3A_361, %dma_start3A_412] : memref<2x256xi32, #tpu.memory_space<vmem>> -> memref<1x256xi32, #tpu.memory_space<vmem>>
        %dma_start3A_414 = tpu.memref_squeeze %dma_start3A_413 : memref<1x256xi32, #tpu.memory_space<vmem>> -> memref<256xi32, #tpu.memory_space<vmem>>
        %dma_start3A_415 = tpu.memref_slice %arg2[%add3A_360] : memref<819200xi32, #tpu.memory_space<hbm>> -> memref<256xi32, #tpu.memory_space<hbm>>
        tpu.enqueue_dma source(%dma_start3A_415 : memref<256xi32, #tpu.memory_space<hbm>>) target(%dma_start3A_414 : memref<256xi32, #tpu.memory_space<vmem>>) target_semaphore(%run_scoped3A_407 : memref<!tpu.dma_semaphore, #tpu.memory_space<semaphore_mem>>)
        %dma_wait3A_416 = arith.constant 0 : i32
        %dma_wait3A_417 = tpu.memref_slice %arg5[%run_scoped3A_361, %dma_wait3A_416] : memref<2x256xi32, #tpu.memory_space<vmem>> -> memref<1x256xi32, #tpu.memory_space<vmem>>
        %dma_wait3A_418 = tpu.memref_squeeze %dma_wait3A_417 : memref<1x256xi32, #tpu.memory_space<vmem>> -> memref<256xi32, #tpu.memory_space<vmem>>
        %dma_wait3A_419 = tpu.memref_slice %arg2[%add3A_360] : memref<819200xi32, #tpu.memory_space<hbm>> -> memref<256xi32, #tpu.memory_space<hbm>>
        %dma_wait3A_420 = arith.constant 0 : i32
        %dma_wait3A_421 = tpu.memref_slice %arg5[%run_scoped3A_361, %dma_wait3A_420] : memref<2x256xi32, #tpu.memory_space<vmem>> -> memref<1x256xi32, #tpu.memory_space<vmem>>
        %dma_wait3A_422 = tpu.memref_squeeze %dma_wait3A_421 : memref<1x256xi32, #tpu.memory_space<vmem>> -> memref<256xi32, #tpu.memory_space<vmem>>
        %dma_wait3A_423 = tpu.memref_slice %arg2[%add3A_360] : memref<819200xi32, #tpu.memory_space<hbm>> -> memref<256xi32, #tpu.memory_space<hbm>>
        tpu.wait_dma2 semaphore(%run_scoped3A_407 : memref<!tpu.dma_semaphore, #tpu.memory_space<semaphore_mem>>) src(%dma_wait3A_423 : memref<256xi32, #tpu.memory_space<hbm>>) dst(%dma_wait3A_422 : memref<256xi32, #tpu.memory_space<vmem>>)
        tpu.yield
      }) : () -> ()
      %dma_wait3A_362 = arith.constant 1 : i32
      %dma_wait3A_363 = arith.constant 0 : i32
      %dma_wait3A_364 = arith.constant 0 : i32
      %dma_wait3A_365 = tpu.memref_slice %arg6[%dma_wait3A_362, %dma_wait3A_363, %dma_wait3A_364] : memref<2x256x128xf32, #tpu.memory_space<vmem>> -> memref<1x256x128xf32, #tpu.memory_space<vmem>>
      %dma_wait3A_366 = tpu.memref_squeeze %dma_wait3A_365 : memref<1x256x128xf32, #tpu.memory_space<vmem>> -> memref<256x128xf32, #tpu.memory_space<vmem>>
      %dma_wait3A_367 = tpu.memref_slice %arg4[%mul3A_0, %mul3A_2] : memref<819200x256xf32, #tpu.memory_space<hbm>> -> memref<256x128xf32, #tpu.memory_space<hbm>>
      %dma_wait3A_368 = tpu.memref_slice %arg4[%mul3A_0, %mul3A_2] : memref<819200x256xf32, #tpu.memory_space<hbm>> -> memref<256x128xf32, #tpu.memory_space<hbm>>
      %dma_wait3A_369 = arith.constant 0 : i32
      %dma_wait3A_370 = arith.constant 0 : i32
      %dma_wait3A_371 = tpu.memref_slice %arg6[%dma_wait3A_362, %dma_wait3A_369, %dma_wait3A_370] : memref<2x256x128xf32, #tpu.memory_space<vmem>> -> memref<1x256x128xf32, #tpu.memory_space<vmem>>
      %dma_wait3A_372 = tpu.memref_squeeze %dma_wait3A_371 : memref<1x256x128xf32, #tpu.memory_space<vmem>> -> memref<256x128xf32, #tpu.memory_space<vmem>>
      tpu.wait_dma2 semaphore(%arg11 : memref<!tpu.dma_semaphore, #tpu.memory_space<semaphore_mem>>) src(%dma_wait3A_372 : memref<256x128xf32, #tpu.memory_space<vmem>>) dst(%dma_wait3A_368 : memref<256x128xf32, #tpu.memory_space<hbm>>)
      %dma_start3A_373 = arith.constant 1 : i32
      %dma_start3A_374 = arith.constant 1 : i32
      %dma_start3A_375 = arith.constant 0 : i32
      %dma_start3A_376 = arith.constant 0 : i32
      %dma_start3A_377 = tpu.memref_slice %arg6[%dma_start3A_374, %dma_start3A_375, %dma_start3A_376] : memref<2x256x128xf32, #tpu.memory_space<vmem>> -> memref<1x256x128xf32, #tpu.memory_space<vmem>>
      %dma_start3A_378 = tpu.memref_squeeze %dma_start3A_377 : memref<1x256x128xf32, #tpu.memory_space<vmem>> -> memref<256x128xf32, #tpu.memory_space<vmem>>
      %dma_start3A_379 = arith.constant 0 : i32
      %dma_start3A_380 = arith.constant 0 : i32
      %dma_start3A_381 = tpu.memref_slice %dma_start3A_378[%dma_start3A_379, %dma_start3A_380] : memref<256x128xf32, #tpu.memory_space<vmem>> -> memref<128x128xf32, #tpu.memory_space<vmem>>
      %dma_start3A_382 = arith.constant 0 : i32
      %dma_start3A_383 = tpu.memref_slice %arg5[%dma_start3A_373, %dma_start3A_382] : memref<2x256xi32, #tpu.memory_space<vmem>> -> memref<1x256xi32, #tpu.memory_space<vmem>>
      %dma_start3A_384 = tpu.memref_squeeze %dma_start3A_383 : memref<1x256xi32, #tpu.memory_space<vmem>> -> memref<256xi32, #tpu.memory_space<vmem>>
      %dma_start3A_385 = arith.constant 0 : i32
      %dma_start3A_386 = tpu.memref_slice %dma_start3A_384[%dma_start3A_385] : memref<256xi32, #tpu.memory_space<vmem>> -> memref<128xi32, #tpu.memory_space<vmem>>
      %dma_start3A_387 = arith.constant 0 : i32
      %dma_start3A_388 = arith.constant 0 : i32
      %dma_start3A_389 = tpu.memref_slice %arg7[%dma_start3A_387, %dma_start3A_388] : memref<4101x128xf32, #tpu.memory_space<vmem_shared>> -> memref<4101x128xf32, #tpu.memory_space<vmem_shared>>
      tpu.enqueue_indirect_dma source(%dma_start3A_389 : memref<4101x128xf32, #tpu.memory_space<vmem_shared>>) target(%dma_start3A_381 : memref<128x128xf32, #tpu.memory_space<vmem>>) offsets(%dma_start3A_386 : memref<128xi32, #tpu.memory_space<vmem>>) semaphore(%arg9 : memref<!tpu.dma_semaphore, #tpu.memory_space<semaphore_mem>>)
      %dma_start3A_390 = arith.constant 1 : i32
      %dma_start3A_391 = arith.constant 1 : i32
      %dma_start3A_392 = arith.constant 0 : i32
      %dma_start3A_393 = arith.constant 0 : i32
      %dma_start3A_394 = tpu.memref_slice %arg6[%dma_start3A_391, %dma_start3A_392, %dma_start3A_393] : memref<2x256x128xf32, #tpu.memory_space<vmem>> -> memref<1x256x128xf32, #tpu.memory_space<vmem>>
      %dma_start3A_395 = tpu.memref_squeeze %dma_start3A_394 : memref<1x256x128xf32, #tpu.memory_space<vmem>> -> memref<256x128xf32, #tpu.memory_space<vmem>>
      %dma_start3A_396 = arith.constant 128 : i32
      %dma_start3A_397 = arith.constant 0 : i32
      %dma_start3A_398 = tpu.memref_slice %dma_start3A_395[%dma_start3A_396, %dma_start3A_397] : memref<256x128xf32, #tpu.memory_space<vmem>> -> memref<128x128xf32, #tpu.memory_space<vmem>>
      %dma_start3A_399 = arith.constant 0 : i32
      %dma_start3A_400 = tpu.memref_slice %arg5[%dma_start3A_390, %dma_start3A_399] : memref<2x256xi32, #tpu.memory_space<vmem>> -> memref<1x256xi32, #tpu.memory_space<vmem>>
      %dma_start3A_401 = tpu.memref_squeeze %dma_start3A_400 : memref<1x256xi32, #tpu.memory_space<vmem>> -> memref<256xi32, #tpu.memory_space<vmem>>
      %dma_start3A_402 = arith.constant 128 : i32
      %dma_start3A_403 = tpu.memref_slice %dma_start3A_401[%dma_start3A_402] : memref<256xi32, #tpu.memory_space<vmem>> -> memref<128xi32, #tpu.memory_space<vmem>>
      %dma_start3A_404 = arith.constant 0 : i32
      %dma_start3A_405 = arith.constant 0 : i32
      %dma_start3A_406 = tpu.memref_slice %arg7[%dma_start3A_404, %dma_start3A_405] : memref<4101x128xf32, #tpu.memory_space<vmem_shared>> -> memref<4101x128xf32, #tpu.memory_space<vmem_shared>>
      tpu.enqueue_indirect_dma source(%dma_start3A_406 : memref<4101x128xf32, #tpu.memory_space<vmem_shared>>) target(%dma_start3A_398 : memref<128x128xf32, #tpu.memory_space<vmem>>) offsets(%dma_start3A_403 : memref<128xi32, #tpu.memory_space<vmem>>) semaphore(%arg9 : memref<!tpu.dma_semaphore, #tpu.memory_space<semaphore_mem>>)
    }
    %scan3A_84 = arith.constant 99 : i32
    %dma_wait3A = arith.constant 0 : i32
    %dma_wait3A_85 = arith.constant 0 : i32
    %dma_wait3A_86 = arith.constant 0 : i32
    %dma_wait3A_87 = arith.constant 0 : i32
    %dma_wait3A_88 = tpu.memref_slice %arg6[%dma_wait3A_85, %dma_wait3A_86, %dma_wait3A_87] : memref<2x256x128xf32, #tpu.memory_space<vmem>> -> memref<1x256x128xf32, #tpu.memory_space<vmem>>
    %dma_wait3A_89 = tpu.memref_squeeze %dma_wait3A_88 : memref<1x256x128xf32, #tpu.memory_space<vmem>> -> memref<256x128xf32, #tpu.memory_space<vmem>>
    %dma_wait3A_90 = arith.constant 0 : i32
    %dma_wait3A_91 = arith.constant 0 : i32
    %dma_wait3A_92 = tpu.memref_slice %dma_wait3A_89[%dma_wait3A_90, %dma_wait3A_91] : memref<256x128xf32, #tpu.memory_space<vmem>> -> memref<128x128xf32, #tpu.memory_space<vmem>>
    %dma_wait3A_93 = arith.constant 0 : i32
    %dma_wait3A_94 = tpu.memref_slice %arg5[%dma_wait3A, %dma_wait3A_93] : memref<2x256xi32, #tpu.memory_space<vmem>> -> memref<1x256xi32, #tpu.memory_space<vmem>>
    %dma_wait3A_95 = tpu.memref_squeeze %dma_wait3A_94 : memref<1x256xi32, #tpu.memory_space<vmem>> -> memref<256xi32, #tpu.memory_space<vmem>>
    %dma_wait3A_96 = arith.constant 0 : i32
    %dma_wait3A_97 = tpu.memref_slice %dma_wait3A_95[%dma_wait3A_96] : memref<256xi32, #tpu.memory_space<vmem>> -> memref<128xi32, #tpu.memory_space<vmem>>
    %dma_wait3A_98 = arith.constant 0 : i32
    %dma_wait3A_99 = arith.constant 0 : i32
    %dma_wait3A_100 = tpu.memref_slice %arg7[%dma_wait3A_98, %dma_wait3A_99] : memref<4101x128xf32, #tpu.memory_space<vmem_shared>> -> memref<4101x128xf32, #tpu.memory_space<vmem_shared>>
    tpu.wait_indirect_dma semaphore(%arg8 : memref<!tpu.dma_semaphore, #tpu.memory_space<semaphore_mem>>) src(%dma_wait3A_100 : memref<4101x128xf32, #tpu.memory_space<vmem_shared>>) dst(%dma_wait3A_92 : memref<128x128xf32, #tpu.memory_space<vmem>>)
    %dma_wait3A_101 = arith.constant 0 : i32
    %dma_wait3A_102 = arith.constant 0 : i32
    %dma_wait3A_103 = arith.constant 0 : i32
    %dma_wait3A_104 = arith.constant 0 : i32
    %dma_wait3A_105 = tpu.memref_slice %arg6[%dma_wait3A_102, %dma_wait3A_103, %dma_wait3A_104] : memref<2x256x128xf32, #tpu.memory_space<vmem>> -> memref<1x256x128xf32, #tpu.memory_space<vmem>>
    %dma_wait3A_106 = tpu.memref_squeeze %dma_wait3A_105 : memref<1x256x128xf32, #tpu.memory_space<vmem>> -> memref<256x128xf32, #tpu.memory_space<vmem>>
    %dma_wait3A_107 = arith.constant 128 : i32
    %dma_wait3A_108 = arith.constant 0 : i32
    %dma_wait3A_109 = tpu.memref_slice %dma_wait3A_106[%dma_wait3A_107, %dma_wait3A_108] : memref<256x128xf32, #tpu.memory_space<vmem>> -> memref<128x128xf32, #tpu.memory_space<vmem>>
    %dma_wait3A_110 = arith.constant 0 : i32
    %dma_wait3A_111 = tpu.memref_slice %arg5[%dma_wait3A_101, %dma_wait3A_110] : memref<2x256xi32, #tpu.memory_space<vmem>> -> memref<1x256xi32, #tpu.memory_space<vmem>>
    %dma_wait3A_112 = tpu.memref_squeeze %dma_wait3A_111 : memref<1x256xi32, #tpu.memory_space<vmem>> -> memref<256xi32, #tpu.memory_space<vmem>>
    %dma_wait3A_113 = arith.constant 128 : i32
    %dma_wait3A_114 = tpu.memref_slice %dma_wait3A_112[%dma_wait3A_113] : memref<256xi32, #tpu.memory_space<vmem>> -> memref<128xi32, #tpu.memory_space<vmem>>
    %dma_wait3A_115 = arith.constant 0 : i32
    %dma_wait3A_116 = arith.constant 0 : i32
    %dma_wait3A_117 = tpu.memref_slice %arg7[%dma_wait3A_115, %dma_wait3A_116] : memref<4101x128xf32, #tpu.memory_space<vmem_shared>> -> memref<4101x128xf32, #tpu.memory_space<vmem_shared>>
    tpu.wait_indirect_dma semaphore(%arg8 : memref<!tpu.dma_semaphore, #tpu.memory_space<semaphore_mem>>) src(%dma_wait3A_117 : memref<4101x128xf32, #tpu.memory_space<vmem_shared>>) dst(%dma_wait3A_109 : memref<128x128xf32, #tpu.memory_space<vmem>>)
    %add3A_118 = arith.constant 50688 : i32
    %add3A_119 = arith.addi %mul3A_0, %add3A_118 : i32
    %dma_start3A_120 = arith.constant 0 : i32
    %dma_start3A_121 = arith.constant 0 : i32
    %dma_start3A_122 = arith.constant 0 : i32
    %dma_start3A_123 = tpu.memref_slice %arg6[%dma_start3A_120, %dma_start3A_121, %dma_start3A_122] : memref<2x256x128xf32, #tpu.memory_space<vmem>> -> memref<1x256x128xf32, #tpu.memory_space<vmem>>
    %dma_start3A_124 = tpu.memref_squeeze %dma_start3A_123 : memref<1x256x128xf32, #tpu.memory_space<vmem>> -> memref<256x128xf32, #tpu.memory_space<vmem>>
    %dma_start3A_125 = tpu.memref_slice %arg4[%add3A_119, %mul3A_2] : memref<819200x256xf32, #tpu.memory_space<hbm>> -> memref<256x128xf32, #tpu.memory_space<hbm>>
    %dma_start3A_126 = tpu.memref_slice %arg4[%add3A_119, %mul3A_2] : memref<819200x256xf32, #tpu.memory_space<hbm>> -> memref<256x128xf32, #tpu.memory_space<hbm>>
    %dma_start3A_127 = arith.constant 0 : i32
    %dma_start3A_128 = arith.constant 0 : i32
    %dma_start3A_129 = tpu.memref_slice %arg6[%dma_start3A_120, %dma_start3A_127, %dma_start3A_128] : memref<2x256x128xf32, #tpu.memory_space<vmem>> -> memref<1x256x128xf32, #tpu.memory_space<vmem>>
    %dma_start3A_130 = tpu.memref_squeeze %dma_start3A_129 : memref<1x256x128xf32, #tpu.memory_space<vmem>> -> memref<256x128xf32, #tpu.memory_space<vmem>>
    tpu.enqueue_dma source(%dma_start3A_130 : memref<256x128xf32, #tpu.memory_space<vmem>>) target(%dma_start3A_126 : memref<256x128xf32, #tpu.memory_space<hbm>>) target_semaphore(%arg10 : memref<!tpu.dma_semaphore, #tpu.memory_space<semaphore_mem>>)
    %dma_wait3A_131 = arith.constant 0 : i32
    %dma_wait3A_132 = arith.constant 0 : i32
    %dma_wait3A_133 = arith.constant 0 : i32
    %dma_wait3A_134 = tpu.memref_slice %arg6[%dma_wait3A_131, %dma_wait3A_132, %dma_wait3A_133] : memref<2x256x128xf32, #tpu.memory_space<vmem>> -> memref<1x256x128xf32, #tpu.memory_space<vmem>>
    %dma_wait3A_135 = tpu.memref_squeeze %dma_wait3A_134 : memref<1x256x128xf32, #tpu.memory_space<vmem>> -> memref<256x128xf32, #tpu.memory_space<vmem>>
    %dma_wait3A_136 = tpu.memref_slice %arg4[%mul3A_0, %mul3A_2] : memref<819200x256xf32, #tpu.memory_space<hbm>> -> memref<256x128xf32, #tpu.memory_space<hbm>>
    %dma_wait3A_137 = tpu.memref_slice %arg4[%mul3A_0, %mul3A_2] : memref<819200x256xf32, #tpu.memory_space<hbm>> -> memref<256x128xf32, #tpu.memory_space<hbm>>
    %dma_wait3A_138 = arith.constant 0 : i32
    %dma_wait3A_139 = arith.constant 0 : i32
    %dma_wait3A_140 = tpu.memref_slice %arg6[%dma_wait3A_131, %dma_wait3A_138, %dma_wait3A_139] : memref<2x256x128xf32, #tpu.memory_space<vmem>> -> memref<1x256x128xf32, #tpu.memory_space<vmem>>
    %dma_wait3A_141 = tpu.memref_squeeze %dma_wait3A_140 : memref<1x256x128xf32, #tpu.memory_space<vmem>> -> memref<256x128xf32, #tpu.memory_space<vmem>>
    tpu.wait_dma2 semaphore(%arg10 : memref<!tpu.dma_semaphore, #tpu.memory_space<semaphore_mem>>) src(%dma_wait3A_141 : memref<256x128xf32, #tpu.memory_space<vmem>>) dst(%dma_wait3A_137 : memref<256x128xf32, #tpu.memory_space<hbm>>)
    %dma_wait3A_142 = arith.constant 1 : i32
    %dma_wait3A_143 = arith.constant 1 : i32
    %dma_wait3A_144 = arith.constant 0 : i32
    %dma_wait3A_145 = arith.constant 0 : i32
    %dma_wait3A_146 = tpu.memref_slice %arg6[%dma_wait3A_143, %dma_wait3A_144, %dma_wait3A_145] : memref<2x256x128xf32, #tpu.memory_space<vmem>> -> memref<1x256x128xf32, #tpu.memory_space<vmem>>
    %dma_wait3A_147 = tpu.memref_squeeze %dma_wait3A_146 : memref<1x256x128xf32, #tpu.memory_space<vmem>> -> memref<256x128xf32, #tpu.memory_space<vmem>>
    %dma_wait3A_148 = arith.constant 0 : i32
    %dma_wait3A_149 = arith.constant 0 : i32
    %dma_wait3A_150 = tpu.memref_slice %dma_wait3A_147[%dma_wait3A_148, %dma_wait3A_149] : memref<256x128xf32, #tpu.memory_space<vmem>> -> memref<128x128xf32, #tpu.memory_space<vmem>>
    %dma_wait3A_151 = arith.constant 0 : i32
    %dma_wait3A_152 = tpu.memref_slice %arg5[%dma_wait3A_142, %dma_wait3A_151] : memref<2x256xi32, #tpu.memory_space<vmem>> -> memref<1x256xi32, #tpu.memory_space<vmem>>
    %dma_wait3A_153 = tpu.memref_squeeze %dma_wait3A_152 : memref<1x256xi32, #tpu.memory_space<vmem>> -> memref<256xi32, #tpu.memory_space<vmem>>
    %dma_wait3A_154 = arith.constant 0 : i32
    %dma_wait3A_155 = tpu.memref_slice %dma_wait3A_153[%dma_wait3A_154] : memref<256xi32, #tpu.memory_space<vmem>> -> memref<128xi32, #tpu.memory_space<vmem>>
    %dma_wait3A_156 = arith.constant 0 : i32
    %dma_wait3A_157 = arith.constant 0 : i32
    %dma_wait3A_158 = tpu.memref_slice %arg7[%dma_wait3A_156, %dma_wait3A_157] : memref<4101x128xf32, #tpu.memory_space<vmem_shared>> -> memref<4101x128xf32, #tpu.memory_space<vmem_shared>>
    tpu.wait_indirect_dma semaphore(%arg9 : memref<!tpu.dma_semaphore, #tpu.memory_space<semaphore_mem>>) src(%dma_wait3A_158 : memref<4101x128xf32, #tpu.memory_space<vmem_shared>>) dst(%dma_wait3A_150 : memref<128x128xf32, #tpu.memory_space<vmem>>)
    %dma_wait3A_159 = arith.constant 1 : i32
    %dma_wait3A_160 = arith.constant 1 : i32
    %dma_wait3A_161 = arith.constant 0 : i32
    %dma_wait3A_162 = arith.constant 0 : i32
    %dma_wait3A_163 = tpu.memref_slice %arg6[%dma_wait3A_160, %dma_wait3A_161, %dma_wait3A_162] : memref<2x256x128xf32, #tpu.memory_space<vmem>> -> memref<1x256x128xf32, #tpu.memory_space<vmem>>
    %dma_wait3A_164 = tpu.memref_squeeze %dma_wait3A_163 : memref<1x256x128xf32, #tpu.memory_space<vmem>> -> memref<256x128xf32, #tpu.memory_space<vmem>>
    %dma_wait3A_165 = arith.constant 128 : i32
    %dma_wait3A_166 = arith.constant 0 : i32
    %dma_wait3A_167 = tpu.memref_slice %dma_wait3A_164[%dma_wait3A_165, %dma_wait3A_166] : memref<256x128xf32, #tpu.memory_space<vmem>> -> memref<128x128xf32, #tpu.memory_space<vmem>>
    %dma_wait3A_168 = arith.constant 0 : i32
    %dma_wait3A_169 = tpu.memref_slice %arg5[%dma_wait3A_159, %dma_wait3A_168] : memref<2x256xi32, #tpu.memory_space<vmem>> -> memref<1x256xi32, #tpu.memory_space<vmem>>
    %dma_wait3A_170 = tpu.memref_squeeze %dma_wait3A_169 : memref<1x256xi32, #tpu.memory_space<vmem>> -> memref<256xi32, #tpu.memory_space<vmem>>
    %dma_wait3A_171 = arith.constant 128 : i32
    %dma_wait3A_172 = tpu.memref_slice %dma_wait3A_170[%dma_wait3A_171] : memref<256xi32, #tpu.memory_space<vmem>> -> memref<128xi32, #tpu.memory_space<vmem>>
    %dma_wait3A_173 = arith.constant 0 : i32
    %dma_wait3A_174 = arith.constant 0 : i32
    %dma_wait3A_175 = tpu.memref_slice %arg7[%dma_wait3A_173, %dma_wait3A_174] : memref<4101x128xf32, #tpu.memory_space<vmem_shared>> -> memref<4101x128xf32, #tpu.memory_space<vmem_shared>>
    tpu.wait_indirect_dma semaphore(%arg9 : memref<!tpu.dma_semaphore, #tpu.memory_space<semaphore_mem>>) src(%dma_wait3A_175 : memref<4101x128xf32, #tpu.memory_space<vmem_shared>>) dst(%dma_wait3A_167 : memref<128x128xf32, #tpu.memory_space<vmem>>)
    %add3A_176 = arith.constant 50944 : i32
    %add3A_177 = arith.addi %mul3A_0, %add3A_176 : i32
    %dma_start3A_178 = arith.constant 1 : i32
    %dma_start3A_179 = arith.constant 0 : i32
    %dma_start3A_180 = arith.constant 0 : i32
    %dma_start3A_181 = tpu.memref_slice %arg6[%dma_start3A_178, %dma_start3A_179, %dma_start3A_180] : memref<2x256x128xf32, #tpu.memory_space<vmem>> -> memref<1x256x128xf32, #tpu.memory_space<vmem>>
    %dma_start3A_182 = tpu.memref_squeeze %dma_start3A_181 : memref<1x256x128xf32, #tpu.memory_space<vmem>> -> memref<256x128xf32, #tpu.memory_space<vmem>>
    %dma_start3A_183 = tpu.memref_slice %arg4[%add3A_177, %mul3A_2] : memref<819200x256xf32, #tpu.memory_space<hbm>> -> memref<256x128xf32, #tpu.memory_space<hbm>>
    %dma_start3A_184 = tpu.memref_slice %arg4[%add3A_177, %mul3A_2] : memref<819200x256xf32, #tpu.memory_space<hbm>> -> memref<256x128xf32, #tpu.memory_space<hbm>>
    %dma_start3A_185 = arith.constant 0 : i32
    %dma_start3A_186 = arith.constant 0 : i32
    %dma_start3A_187 = tpu.memref_slice %arg6[%dma_start3A_178, %dma_start3A_185, %dma_start3A_186] : memref<2x256x128xf32, #tpu.memory_space<vmem>> -> memref<1x256x128xf32, #tpu.memory_space<vmem>>
    %dma_start3A_188 = tpu.memref_squeeze %dma_start3A_187 : memref<1x256x128xf32, #tpu.memory_space<vmem>> -> memref<256x128xf32, #tpu.memory_space<vmem>>
    tpu.enqueue_dma source(%dma_start3A_188 : memref<256x128xf32, #tpu.memory_space<vmem>>) target(%dma_start3A_184 : memref<256x128xf32, #tpu.memory_space<hbm>>) target_semaphore(%arg11 : memref<!tpu.dma_semaphore, #tpu.memory_space<semaphore_mem>>)
    %dma_wait3A_189 = arith.constant 1 : i32
    %dma_wait3A_190 = arith.constant 0 : i32
    %dma_wait3A_191 = arith.constant 0 : i32
    %dma_wait3A_192 = tpu.memref_slice %arg6[%dma_wait3A_189, %dma_wait3A_190, %dma_wait3A_191] : memref<2x256x128xf32, #tpu.memory_space<vmem>> -> memref<1x256x128xf32, #tpu.memory_space<vmem>>
    %dma_wait3A_193 = tpu.memref_squeeze %dma_wait3A_192 : memref<1x256x128xf32, #tpu.memory_space<vmem>> -> memref<256x128xf32, #tpu.memory_space<vmem>>
    %dma_wait3A_194 = tpu.memref_slice %arg4[%mul3A_0, %mul3A_2] : memref<819200x256xf32, #tpu.memory_space<hbm>> -> memref<256x128xf32, #tpu.memory_space<hbm>>
    %dma_wait3A_195 = tpu.memref_slice %arg4[%mul3A_0, %mul3A_2] : memref<819200x256xf32, #tpu.memory_space<hbm>> -> memref<256x128xf32, #tpu.memory_space<hbm>>
    %dma_wait3A_196 = arith.constant 0 : i32
    %dma_wait3A_197 = arith.constant 0 : i32
    %dma_wait3A_198 = tpu.memref_slice %arg6[%dma_wait3A_189, %dma_wait3A_196, %dma_wait3A_197] : memref<2x256x128xf32, #tpu.memory_space<vmem>> -> memref<1x256x128xf32, #tpu.memory_space<vmem>>
    %dma_wait3A_199 = tpu.memref_squeeze %dma_wait3A_198 : memref<1x256x128xf32, #tpu.memory_space<vmem>> -> memref<256x128xf32, #tpu.memory_space<vmem>>
    tpu.wait_dma2 semaphore(%arg11 : memref<!tpu.dma_semaphore, #tpu.memory_space<semaphore_mem>>) src(%dma_wait3A_199 : memref<256x128xf32, #tpu.memory_space<vmem>>) dst(%dma_wait3A_195 : memref<256x128xf32, #tpu.memory_space<hbm>>)
    return
  }
}

</mosaic_0001>

<sc_bundles>
// kernel: kernel.3.cloned.1.call-start
scs
__scs_entry_jumppad:
0x0: {  	(pc) =	sbr.rel $0x88, $3  }
0x1: {  	(tag) =	ssettag $0x0;
	lr =	simm.s32 $0x1  }
0x2: {  	[smem:$0x3F9F] =	sst lr;
	_ =	strace $0xD0000000  }
0x3: {  	_ = 	snop  }
0x4: {  	_ = 	snop  }
0x5: {  	_ = 	snop  }
0x6: {  	_ = 	snop  }
0x7: {  	_ = 	snop  }
__scs_overlays_trampoline_lowered:
0x8: {  	[smem:$0x3FAE] =	sst s0  }
0x9: {  	[smem:$0x3FAF] =	sst s1  }
0xa: {  	[smem:$0x3FB0] =	sst s2  }
0xb: {  	[smem:$0x3FB1] =	sst s3  }
0xc: {  	[smem:$0x3FB2] =	sst s4  }
0xd: {  	[smem:$0x3FB3] =	sst s5  }
0xe: {  	[smem:$0x3FB4] =	sst s6  }
0xf: {  	[smem:$0x3FB5] =	sst s7  }
0x10: {  	[smem:$0x3FB6] =	sst s8  }
0x11: {  	[smem:$0x3FB7] =	sst s9;
	s0 =	simm.s32 @!p0 $0x0  }
0x12: {  	s1 =	sld [smem:$0x3F9D];
	s0 =	simm.s32 @p0 $0x1  }
0x13: {  	[smem:$0x3FB8] =	sst s0;
	s0 =	simm.s32 @!p1 $0x0  }
0x14: {  	s2 =	sld [smem:$0x3F9C];
	s0 =	simm.s32 @p1 $0x1  }
0x15: {  	[smem:$0x3FB9] =	sst s0;
	s0 =	simm.s32 @!p2 $0x0  }
0x16: {  	s3 =	sld [smem:$0x3FDB];
	s0 =	simm.s32 @p2 $0x1  }
0x17: {  	s4 =	simm.s32 $0x1BF5;
	[smem:$0x3FBB] =	sst s0  }
0x18: {  	s0 =	sld [smem:$0x3F9E];
	_ =	swait.ge [sflag:s4], $0x0  }
0x19: {  	s7 =	sld [smem:$0x3F9F]  }
0x1a: {  	s8 =	sadd.s32 $0xFFFFE003, lr  }
0x1b: {  	s9 =	sadd.s32 $0xFFFFFEF7, lr;
	s5 =	simm.s32 $0xFFFFFFFF;
	p2 =	slt.u32 s8, $0xFFFFF086  }
0x1c: {  	p1 =	slt.u32 s9, $0xF7A;
	s5 =	simm.s32 @!p2 $0x0  }
0x1d: {  	s5 =	simm.s32 @p1 $0x1;
	p0 =	seq.s32 s7, s2  }
0x1e: {  	s7 =	smul.u32 @!p0 $0xF7A, s2;
	p2 =	seq.s32 @!p0 s5, $0x0  }
0x1f: {  	s9 =	smul.u32 $0xF7A, s1;
	s8 =	simm.s32 @!p0 $0x1BF5;
	p2 =	por !p2, p0  }
0x20: {  	[sflag:s8] =	ssyncset.s32 @!p0 $0xFFFFF086;
	s6 =	sadd.s32 @!p0 s3, s7;
	s7 =	simm.s32 @!p0 $0x108  }
0x21: {  	s3 =	sadd.s32 s3, s9;
	s6 =	sadd.s32 @!p0 $0x88, s6;
	s7 =	simm.s32 @p2 $0x1082  }
0x22: {  	[simem:s7], [sflag:s8] =	dma.local @!p0 [hbm:s6], $0xF7A  }
0x23: {  	s9 =	sor.u32 $0xD0000000, s2;
	s6 =	simm.s32 $0x108;
	_ =	swait.ge @!p0 [sflag:s8], $0x0  }
0x24: {  	s3 =	sadd.s32 $0x88, s3;
	s6 =	simm.s32 @!p1 $0x1082;
	[sflag:s4] =	ssyncset.s32 $0xFFFFF086  }
0x25: {  	[simem:s6], [sflag:s4] =	dma.local [hbm:s3], $0xF7A  }
0x26: {  	[smem:$0x3F9F] =	sst s1;
	(tag) =	ssettag s2;
	_ =	strace s9  }
0x27: {  	s1 =	sld [smem:$0x3FAF]  }
0x28: {  	s2 =	sld [smem:$0x3FB0]  }
0x29: {  	s4 =	sld [smem:$0x3FB2]  }
0x2a: {  	p0 =	seq.s32 s5, $0x0;
	s5 =	sld [smem:$0x3FB3]  }
0x2b: {  	s6 =	sld [smem:$0x3FB4]  }
0x2c: {  	s7 =	sld [smem:$0x3FB5]  }
0x2d: {  	s3 =	simm.s32 $0x108;
	s8 =	sld [smem:$0x3FB6]  }
0x2e: {  	s3 =	simm.s32 @!p0 $0x1082;
	s9 =	sld [smem:$0x3FB7]  }
0x2f: {  	lr =	sadd.s32 s0, s3;
	s0 =	sld [smem:$0x3FAE]  }
0x30: {  	s3 =	sld [smem:$0x3FB1]  }
0x31: {  	[smem:$0x3FBA] =	sst s10  }
0x32: {  	s10 =	sld [smem:$0x3FB8];
	_ =	sdelay $0x3  }
0x33: {  	p0 =	seq.s32 s10, $0x1;
	s10 =	sld [smem:$0x3FBA];
	_ =	sdelay $0x3  }
0x34: {  	[smem:$0x3FBA] =	sst s10  }
0x35: {  	s10 =	sld [smem:$0x3FB9];
	_ =	sdelay $0x3  }
0x36: {  	p1 =	seq.s32 s10, $0x1;
	s10 =	sld [smem:$0x3FBA];
	_ =	sdelay $0x3  }
0x37: {  	[smem:$0x3FBA] =	sst s10  }
0x38: {  	s10 =	sld [smem:$0x3FBB]  }
0x39: {  	_ = 	snop;
	(pc) =	sbr.ind lr, $3  }
0x3a: {  	_ = 	snop  }
0x3b: {  	_ = 	snop  }
0x3c: {  	p2 =	seq.s32 s10, $0x1;
	s10 =	sld [smem:$0x3FBA]  }
0x3d: {  	_ =	shalt  }
0x3e: {  	_ =	shalt  }
0x3f: {  	_ =	shalt  }
0x40: {  	_ =	shalt  }
0x41: {  	_ =	shalt  }
0x42: {  	_ =	shalt  }
0x43: {  	_ =	shalt  }
0x44: {  	_ =	shalt  }
0x45: {  	_ =	shalt  }
0x46: {  	_ =	shalt  }
0x47: {  	_ =	shalt  }
0x48: {  	_ =	shalt  }
0x49: {  	_ =	shalt  }
0x4a: {  	_ =	shalt  }
0x4b: {  	_ =	shalt  }
0x4c: {  	_ =	shalt  }
0x4d: {  	_ =	shalt  }
0x4e: {  	_ =	shalt  }
0x4f: {  	_ =	shalt  }
0x50: {  	_ =	shalt  }
0x51: {  	_ =	shalt  }
0x52: {  	_ =	shalt  }
0x53: {  	_ =	shalt  }
0x54: {  	_ =	shalt  }
0x55: {  	_ =	shalt  }
0x56: {  	_ =	shalt  }
0x57: {  	_ =	shalt  }
0x58: {  	_ =	shalt  }
0x59: {  	_ =	shalt  }
0x5a: {  	_ =	shalt  }
0x5b: {  	_ =	shalt  }
0x5c: {  	_ =	shalt  }
0x5d: {  	_ =	shalt  }
0x5e: {  	_ =	shalt  }
0x5f: {  	_ =	shalt  }
0x60: {  	_ =	shalt  }
0x61: {  	_ =	shalt  }
0x62: {  	_ =	shalt  }
0x63: {  	_ =	shalt  }
0x64: {  	_ =	shalt  }
0x65: {  	_ =	shalt  }
0x66: {  	_ =	shalt  }
0x67: {  	_ =	shalt  }
0x68: {  	_ =	shalt  }
0x69: {  	_ =	shalt  }
0x6a: {  	_ =	shalt  }
0x6b: {  	_ =	shalt  }
0x6c: {  	_ =	shalt  }
0x6d: {  	_ =	shalt  }
0x6e: {  	_ =	shalt  }
0x6f: {  	_ =	shalt  }
0x70: {  	_ =	shalt  }
0x71: {  	_ =	shalt  }
0x72: {  	_ =	shalt  }
0x73: {  	_ =	shalt  }
0x74: {  	_ =	shalt  }
0x75: {  	_ =	shalt  }
0x76: {  	_ =	shalt  }
0x77: {  	_ =	shalt  }
0x78: {  	_ =	shalt  }
0x79: {  	_ =	shalt  }
0x7a: {  	_ =	shalt  }
0x7b: {  	_ =	shalt  }
0x7c: {  	_ =	shalt  }
0x7d: {  	_ =	shalt  }
0x7e: {  	_ =	shalt  }
0x7f: {  	_ =	shalt  }
0x80: {  	_ =	shalt  }
0x81: {  	_ =	shalt  }
0x82: {  	_ =	shalt  }
0x83: {  	_ =	shalt  }
0x84: {  	_ =	shalt  }
0x85: {  	_ =	shalt  }
0x86: {  	_ =	shalt  }
0x87: {  	_ =	shalt  }
.Lfunc_end0:
.L_simem_size_0:
called_computation_lowered:
.L_overlay_start_0:
0x88: {  	s2 =	sld [smem:$0x3FD9]  }
0x89: {  	s3 =	sld [smem:$0x3FFE];
	_ =	sdelay $0x1  }
0x8a: {  	s1 =	srdreg.scid  }
0x8b: {  	s0 =	sand.u32 $0x1, s1  }
0x8c: {  	s17 =	sshll.u32 s0, $0xA;
	s2 =	sadd.s32 s3, s2  }
0x8d: {  	s2 =	sadd.s32 s2, s17  }
0x8e: {  	[smem:$0x3FC6] =	sst s2  }
0x8f: {  	_ = 	snop  }
0x90: {  	s2 =	sld [smem:$0x3FC8]  }
0x91: {  	s18 =	sld [smem:$0x3FD0];
	(tm) =	ssettm $0x1  }
0x92: {  	s4 =	sld [smem:$0x3FFB];
	_ =	sdelay $0x3  }
0x93: {  	_ =	strace s4  }
0x94: {  	s4 =	sld [smem:$0x3FFC];
	_ =	sdelay $0x3  }
0x95: {  	_ =	strace s4  }
0x96: {  	s4 =	sld [smem:$0x3FFD];
	_ =	sdelay $0x3  }
0x97: {  	_ =	strace s4  }
0x98: {  	_ =	strace $0x8FFFFFFF  }
0x99: {  	s19 =	sld [smem:$0x3FDB];
	_ =	sdelay $0x1  }
0x9a: {  	s5 =	simm.s32 $_scs_section_size  }
0x9b: {  	s6 =	simm.s32 $_size__tile_overlayer_lowered;
	s7 =	simm.s32 $_tile_overlayer_lowered  }
0x9c: {  	s22 =	simm.s32 $0x1BFF;
	s21 =	sshll.u32 s7, $0x1;
	s4 =	sadd.s32 s5, s19  }
0x9d: {  	s8 =	simm.s32 $0x0;
	s20 =	sshll.u32 s6, $0x1;
	s6 =	sadd.s32 s21, s4  }
0x9e: {  	[timem:s8], [sflag:s22] =	dma.local [hbm:s6], s20  }
0x9f: {  	_ =	swait.ge [sflag:s22], s20  }
0xa0: {  	s5 =	ssub.s32 $0x0, s20;
	[sflag:s22] =	ssyncset.done $0x0  }
0xa1: {  	[sflag:s22] =	ssyncadd.s32 s5;
	_ =	sdelay $0x1  }
0xa2: {  	s23 =	simm.s32 $0x1B8B  }
0xa3: {  	_ =	swait.ge [sflag:s23], $0x1  }
0xa4: {  	[sflag:s23] =	ssyncset.done $0x0  }
0xa5: {  	s25 =	simm.s32 $0x1B8E;
	s24 =	sld [smem:$0x3FFE];
	[sflag:s23] =	ssyncadd.s32 $0xFFFFFFFF  }
0xa6: {  	s26 =	simm.s32 $execute0_lowered;
	[smem:$0x3FD2] =	sst s25  }
0xa7: {  	s6 =	sshll.u32 s26, $0x1;
	_ =	strace $0x80000046;
	[dreg:$0x1] =	wrdreg $0xFFFFFFFF  }
0xa8: {  	s28 =	simm.s32 $_size_execute0_lowered;
	s4 =	sadd.s32 s4, s6;
	[dreg:$0x0] =	wrdreg $0x0  }
0xa9: {  	s6 =	sshll.u32 s28, $0x1;
	[dreg:$0x2] =	wrdreg s4  }
0xaa: {  	[dreg:$0x3] =	wrdreg s6  }
0xab: {  	[dreg:$0x4] =	wrdreg $0xC0  }
0xac: {  	_ =	task [dreg:s8], $0x5FFFF  }
0xad: {  	[dreg:$0x1] =	wrdreg $0xFFFFFFFF  }
0xae: {  	[dreg:$0x0] =	wrdreg $0x60  }
0xaf: {  	[dreg:$0x2] =	wrdreg s24  }
0xb0: {  	[dreg:$0x3] =	wrdreg s2  }
0xb1: {  	[dreg:$0x4] =	wrdreg s18  }
0xb2: {  	[dreg:$0x5] =	wrdreg $0x102000  }
0xb3: {  	[dreg:$0x6] =	wrdreg $0x9  }
0xb4: {  	_ =	task.clear_ibuf [dreg:s8], $0x7FFFF;
	_ =	strace $0x90000046  }
0xb5: {  	s29 =	simm.s32 $0x9;
	_ =	strace $0x80000048  }
0xb6: {  	_ =	swait.ge [sflag:s29], $0x1  }
0xb7: {  	[sflag:s29] =	ssyncadd.s32 $0xFFFFFFFF  }
0xb8: {  	_ =	strace $0x90000048  }
0xb9: {  	_ =	sfence  }
0xba: {  	s30 =	sld [smem:$0x0];
	_ =	sdelay $0x2  }
0xbb: {  	s31 =	sshll.u32 s1, $0xD;
	s1 =	sshrl.u32 s1, $0x2  }
0xbc: {  	s3 =	sand.u32 $0x4000, s31;
	s1 =	sadd.s32 s1, s30  }
0xbd: {  	s0 =	sor.u32 s3, s0;
	s1 =	sshll.u32 s1, $0x11  }
0xbe: {  	s0 =	sor.u32 s1, s0  }
0xbf: {  	s0 =	sadd.s32 $0x8F2B, s0  }
0xc0: {  	[sflag:s0] =	ssyncadd.remote.s32 $0x1  }
0xc1: {  	_ =	sfence.sel $0xFFFF  }
0xc2: {  	[dreg:$0x0] =	wrdreg $0xFFFFFFFF;
	(pc) =	sbr.abs _section_cstart, $3  }
0xc3: {  	[dreg:$0x1] =	wrdreg $0xFFFFFFFF  }
0xc4: {  	_ =	task.clear_ibuf [dreg:s8], $0x2FFFF;
	_ =	strace $0x9FFFFFFF  }
0xc5: {  	(tm) =	ssettm $0x7FFFFFFF  }
tec
execute0_lowered:
.L_overlay_start_1:
0x0: {  	(tag) =	ssettag $0x1  }
0x1: {  	s0 =	rddreg [dreg:$0x0]  }
0x2: {  	s3 =	rddreg [dreg:$0x1]  }
0x3: {  	s4 =	rddreg [dreg:$0x2]  }
0x4: {  	s1 =	rddreg [dreg:$0x3];
	s5 =	srdreg.scid  }
0x5: {  	s2 =	simm.s32 $0x0;
	s17 =	stileid.u32;
	s28 =	simm.s32 $0xC200  }
0x6: {  	s29 =	simm.s32 $0x1;
	s30 =	simm.s32 $0x400;
	s31 =	simm.s32 $0x800  }
0x7: {  	s5 =	sand.u32 $0x1, s5;
	[smem:$0x7FF] =	sst s2;
	s16 =	smul.u32 $0xC800, s17  }
0x8: {  	s0 =	sadd.s32 $0x400, s0;
	s19 =	sshll.u32 s17, $0xD;
	s20 =	smul.u32 $0xC80000, s17  }
0x9: {  	s10 =	sshll.u32 s17, $0xF;
	s14 =	sadd.s32 $0x78000, s1;
	s12 =	smul.u32 $0x1900, s17  }
0xa: {  	p0 =	seq.s32 s17, $0xF;
	s6 =	ssub.s32 $0x2, s5;
	_ =	strace $0x80000047  }
0xb: {  	s9 =	sshll.u32 s5, $0x7;
	s18 =	sadd.s32 s10, s1;
	s5 =	sshll.u32 s5, $0xA  }
0xc: {  	s7 =	sshrl.u32 s6, $0x1;
	s3 =	sadd.s32 s3, s9;
	s21 =	sor.u32 s5, s20  }
0xd: {  	s5 =	sadd.s32 $0x80000, s1;
	s18 =	sshrl.u32 @!p0 s18, $0x3;
	s20 =	simm.s32 $0x100  }
0xe: {  	s8 =	ssub.s32 s6, s7;
	s7 =	sadd.s32 s19, s3;
	s15 =	sadd.s32 $0x1E000, s3  }
0xf: {  	s6 =	sshrl.u32 s16, $0x3;
	s22 =	sadd.s32 $0xC60000, s21;
	s24 =	sadd.s32 $0xC70000, s21  }
0x10: {  	s26 =	sshrl.u32 s21, $0x3;
	s3 =	sor.u32 $0x10000, s21;
	s21 =	simm.s32 $0x5  }
0x11: {  	[dreg:$0x5] =	wrdreg s7;
	s6 =	sadd.s32 s0, s6;
	s23 =	sshrl.u32 s22, $0x3  }
0x12: {  	s25 =	sshrl.u32 s24, $0x3;
	s8 =	smax.u32 s8, $0x1;
	s11 =	sadd.s32 s26, s4  }
0x13: {  	s0 =	sadd.s32 s12, s0;
	s3 =	sshrl.u32 s3, $0x3;
	s22 =	simm.s32 $0x80  }
0x14: {  	s24 =	simm.s32 $0x4200;
	s26 =	simm.s32 $0x8200;
	s7 =	sadd.s32 $0x20, s6  }
0x15: {  	s9 =	sadd.s32 s4, s23;
	[dreg:$0x8] =	wrdreg s8;
	s12 =	sadd.s32 $0x60, s0  }
0x16: {  	s13 =	sadd.s32 s3, s4;
	s0 =	sshrl.u32 @p0 s14, $0x3;
	s14 =	smov.u32 s15  }
0x17: {  	s19 =	sadd.s32 $0x10, s6;
	s23 =	simm.s32 $0x200;
	[dreg:$0x6] =	wrdreg s9  }
0x18: {  	s3 =	simm.s32 $0x2;
	s9 =	sadd.s32 s4, s25;
	[dreg:$0x9] =	wrdreg s0  }
0x19: {  	s0 =	sadd.s32 @p0 $0x2000, s15;
	s15 =	smov.u32 s6;
	[dreg:$0x7] =	wrdreg s9  }
0x1a: {  	s25 =	simm.s32 $0x180;
	[dreg:$0xa] =	wrdreg s0;
	s0 =	sshrl.u32 @p0 s5, $0x3  }
0x1b: {  	s4 =	simm.s32 $0x4;
	[dreg:$0xb] =	wrdreg s0;
	s0 =	sshll.u32 @!p0 s17, $0x6  }
0x1c: {  	s5 =	simm.s32 $0x0;
	s17 =	sor.u32 @!p0 $0x1C05, s0;
	s0 =	simm.s32 $0x3  }
.LBB2_1:
0x1d: {  	s8 =	simm.s32 @p0 $0x8;
	s9 =	simm.s32 @p0 $0x80  }
0x1e: {  	s10 =	simm.s32 @p0 $0x100;
	s6 =	simm.s32 @p0 $0x1FC5;
	s16 =	rddreg [dreg:$0x9]  }
0x1f: {  	[spmem:s16@s9], [sflag:s6] =	dma.strided @p0 [hbm:s14@s10], $0x1000, s8, $0x10   }
0x20: {  	s8 =	rddreg [dreg:$0xa]  }
0x21: {  	s9 =	rddreg [dreg:$0xb]  }
0x22: {  	[spmem:s9], [sflag:s6] =	dma.local @p0 [hbm:s8], $0x50  }
0x23: {  	s6 =	simm.s32 @p0 $0x5  }
0x24: {  	_ =	swait.ge @p0 [sflag:s6], $0x1050  }
0x25: {  	s8 =	simm.s32 @!p0 $0x80;
	s9 =	simm.s32 @!p0 $0x100;
	[sflag:s6] =	ssyncset.done @p0 $0x0  }
0x26: {  	s10 =	rddreg [dreg:$0x5];
	[sflag:s6] =	ssyncadd.s32 @p0 $0xFFFFEFB0;
	s6 =	simm.s32 @!p0 $0x8  }
0x27: {  	[spmem:s18@s8], [sflag:s17] =	dma.strided @!p0 [hbm:s10@s9], $0x1000, s6, $0x10   }
0x28: {  	s6 =	simm.s32 @!p0 $0x5  }
0x29: {  	_ =	swait.ge @!p0 [sflag:s6], $0x1000  }
0x2a: {  	[sflag:s6] =	ssyncset.done @!p0 $0x0  }
0x2b: {  	[sflag:s6] =	ssyncadd.s32 @!p0 $0xFFFFF000  }
0x2c: {  	[bflag:$0x0] =	sbarrier.arrive $0xFFFF  }
0x2d: {  	[tilespmem:s2], [sflag:$0x5] =	stream.linear.gather [hbm4b:s15+s2], $0x80, $0x38;
	[tilespmem:$0x18228] =	vst v63  }
0x2e: {  	_ = 	snop  }
0x2f: {  	[tilespmem:s20], [sflag:$0x5] =	stream.linear.gather [hbm4b:s19+s2], $0x80, $0x38;
	[tilespmem:$0x18228] =	vst v63  }
0x30: {  	_ =	swait.ge [sflag:s21], $0x100  }
0x31: {  	[sflag:s21] =	ssyncset.done $0x0  }
0x32: {  	[sflag:s21] =	ssyncadd.s32 $0xFFFFFF00  }
0x33: {  	[tilespmem:s23], [sflag:$0x1] =	stream.indirect.gather [spmem:s1], $0x80, s2, s22, $0xb8;
	[tilespmem:$0x18228] =	vst v63  }
0x34: {  	_ = 	snop  }
0x35: {  	[tilespmem:s24], [sflag:$0x1] =	stream.indirect.gather [spmem:s1], $0x80, s20, s22, $0xb8;
	[tilespmem:$0x18228] =	vst v63  }
0x36: {  	_ = 	snop  }
0x37: {  	[tilespmem:s22], [sflag:$0x5] =	stream.linear.gather [hbm4b:s7+s2], $0x80, $0x38;
	[tilespmem:$0x18228] =	vst v63  }
0x38: {  	s10 =	sadd.s32 $0x10, s7  }
0x39: {  	[tilespmem:s25], [sflag:$0x5] =	stream.linear.gather [hbm4b:s10+s2], $0x80, $0x38;
	[tilespmem:$0x18228] =	vst v63  }
0x3a: {  	_ =	swait.ge [sflag:s21], $0x100  }
0x3b: {  	[sflag:s21] =	ssyncset.done $0x0  }
0x3c: {  	[sflag:s21] =	ssyncadd.s32 $0xFFFFFF00  }
0x3d: {  	[tilespmem:s26], [sflag:$0x2] =	stream.indirect.gather [spmem:s1], $0x80, s22, s22, $0xb8;
	[tilespmem:$0x18228] =	vst v63  }
0x3e: {  	_ = 	snop  }
0x3f: {  	[tilespmem:s28], [sflag:$0x2] =	stream.indirect.gather [spmem:s1], $0x80, s25, s22, $0xb8;
	[tilespmem:$0x18228] =	vst v63  }
0x40: {  	_ =	swait.ge [sflag:s29], $0x4000  }
0x41: {  	[sflag:s29] =	ssyncset.done $0x0  }
0x42: {  	[sflag:s29] =	ssyncadd.s32 $0xFFFFC000  }
0x43: {  	_ =	swait.ge [sflag:s29], $0x4000  }
0x44: {  	[sflag:s29] =	ssyncset.done $0x0  }
0x45: {  	s16 =	sadd.s32 $0x0, s11;
	[sflag:s29] =	ssyncadd.s32 $0xFFFFC000  }
0x46: {  	[hbm4b:s16+s30] =	stream.strided.scatter [tilespmem:s23], [sflag:$0x3], $0x8000, s31, s30, $0x38;
	[tilespmem:$0x18228] =	vst v63  }
0x47: {  	s8 =	sadd.s32 $0xFFFFFFE0, s12  }
0x48: {  	[tilespmem:s2], [sflag:$0x5] =	stream.linear.gather [hbm4b:s8+s2], $0x80, $0x38;
	[tilespmem:$0x18228] =	vst v63  }
0x49: {  	s9 =	sadd.s32 $0xFFFFFFF0, s12  }
0x4a: {  	[tilespmem:s20], [sflag:$0x5] =	stream.linear.gather [hbm4b:s9+s2], $0x80, $0x38;
	[tilespmem:$0x18228] =	vst v63  }
0x4b: {  	_ =	swait.ge [sflag:s21], $0x100  }
0x4c: {  	[sflag:s21] =	ssyncset.done $0x0  }
0x4d: {  	[sflag:s21] =	ssyncadd.s32 $0xFFFFFF00  }
0x4e: {  	_ =	swait.ge [sflag:s0], $0x8000  }
0x4f: {  	[sflag:s0] =	ssyncset.done $0x0  }
0x50: {  	[sflag:s0] =	ssyncadd.s32 $0xFFFF8000  }
0x51: {  	[tilespmem:s23], [sflag:$0x1] =	stream.indirect.gather [spmem:s1], $0x80, s2, s22, $0xb8;
	[tilespmem:$0x18228] =	vst v63  }
0x52: {  	_ = 	snop  }
0x53: {  	[tilespmem:s24], [sflag:$0x1] =	stream.indirect.gather [spmem:s1], $0x80, s20, s22, $0xb8;
	[tilespmem:$0x18228] =	vst v63  }
0x54: {  	_ =	swait.ge [sflag:s3], $0x4000  }
0x55: {  	[sflag:s3] =	ssyncset.done $0x0  }
0x56: {  	[sflag:s3] =	ssyncadd.s32 $0xFFFFC000  }
0x57: {  	_ =	swait.ge [sflag:s3], $0x4000  }
0x58: {  	[sflag:s3] =	ssyncset.done $0x0  }
0x59: {  	s10 =	sadd.s32 $0x0, s13;
	[sflag:s3] =	ssyncadd.s32 $0xFFFFC000  }
0x5a: {  	[hbm4b:s10+s30] =	stream.strided.scatter [tilespmem:s26], [sflag:$0x4], $0x8000, s31, s30, $0x38;
	[tilespmem:$0x18228] =	vst v63  }
0x5b: {  	_ = 	snop  }
0x5c: {  	[tilespmem:s22], [sflag:$0x5] =	stream.linear.gather [hbm4b:s12+s2], $0x80, $0x38;
	[tilespmem:$0x18228] =	vst v63  }
0x5d: {  	s16 =	sadd.s32 $0x10, s12  }
0x5e: {  	[tilespmem:s25], [sflag:$0x5] =	stream.linear.gather [hbm4b:s16+s2], $0x80, $0x38;
	[tilespmem:$0x18228] =	vst v63  }
0x5f: {  	_ =	swait.ge [sflag:s21], $0x100  }
0x60: {  	[sflag:s21] =	ssyncset.done $0x0  }
0x61: {  	[sflag:s21] =	ssyncadd.s32 $0xFFFFFF00  }
0x62: {  	_ =	swait.ge [sflag:s4], $0x8000  }
0x63: {  	[sflag:s4] =	ssyncset.done $0x0  }
0x64: {  	s8 =	simm.s32 $0x4000;
	s9 =	sadd.s32 $0x40, s12;
	[sflag:s4] =	ssyncadd.s32 $0xFFFF8000  }
0x65: {  	[tilespmem:s26], [sflag:$0x2] =	stream.indirect.gather [spmem:s1], $0x80, s22, s22, $0xb8;
	[tilespmem:$0x18228] =	vst v63  }
.LBB2_2:
0x66: {  	[tilespmem:s28], [sflag:$0x2] =	stream.indirect.gather [spmem:s1], $0x80, s25, s22, $0xb8;
	[tilespmem:$0x18228] =	vst v63  }
0x67: {  	s6 =	smov.u32 s8  }
0x68: {  	p1 =	sne.s32 s8, $0x188000;
	s8 =	sadd.s32 $0x4000, s8;
	_ =	swait.ge [sflag:s29], $0x4000  }
0x69: {  	[sflag:s29] =	ssyncset.done $0x0  }
0x6a: {  	[sflag:s29] =	ssyncadd.s32 $0xFFFFC000  }
0x6b: {  	_ =	swait.ge [sflag:s29], $0x4000  }
0x6c: {  	[sflag:s29] =	ssyncset.done $0x0  }
0x6d: {  	s10 =	sadd.s32 s6, s11;
	[sflag:s29] =	ssyncadd.s32 $0xFFFFC000  }
0x6e: {  	[hbm4b:s10+s30] =	stream.strided.scatter [tilespmem:s23], [sflag:$0x3], $0x8000, s31, s30, $0x38;
	[tilespmem:$0x18228] =	vst v63  }
0x6f: {  	s10 =	sadd.s32 $0xFFFFFFE0, s9  }
0x70: {  	[tilespmem:s2], [sflag:$0x5] =	stream.linear.gather [hbm4b:s10+s2], $0x80, $0x38;
	[tilespmem:$0x18228] =	vst v63  }
0x71: {  	s10 =	sadd.s32 $0xFFFFFFF0, s9  }
0x72: {  	[tilespmem:s20], [sflag:$0x5] =	stream.linear.gather [hbm4b:s10+s2], $0x80, $0x38;
	[tilespmem:$0x18228] =	vst v63  }
0x73: {  	_ =	swait.ge [sflag:s21], $0x100  }
0x74: {  	[sflag:s21] =	ssyncset.done $0x0  }
0x75: {  	[sflag:s21] =	ssyncadd.s32 $0xFFFFFF00  }
0x76: {  	_ =	swait.ge [sflag:s0], $0x8000  }
0x77: {  	[sflag:s0] =	ssyncset.done $0x0  }
0x78: {  	[sflag:s0] =	ssyncadd.s32 $0xFFFF8000  }
0x79: {  	[tilespmem:s23], [sflag:$0x1] =	stream.indirect.gather [spmem:s1], $0x80, s2, s22, $0xb8;
	[tilespmem:$0x18228] =	vst v63  }
0x7a: {  	_ = 	snop  }
0x7b: {  	[tilespmem:s24], [sflag:$0x1] =	stream.indirect.gather [spmem:s1], $0x80, s20, s22, $0xb8;
	[tilespmem:$0x18228] =	vst v63  }
0x7c: {  	_ =	swait.ge [sflag:s3], $0x4000  }
0x7d: {  	[sflag:s3] =	ssyncset.done $0x0  }
0x7e: {  	[sflag:s3] =	ssyncadd.s32 $0xFFFFC000  }
0x7f: {  	_ =	swait.ge [sflag:s3], $0x4000  }
0x80: {  	[sflag:s3] =	ssyncset.done $0x0  }
0x81: {  	s6 =	sadd.s32 s6, s13;
	[sflag:s3] =	ssyncadd.s32 $0xFFFFC000  }
0x82: {  	[hbm4b:s6+s30] =	stream.strided.scatter [tilespmem:s26], [sflag:$0x4], $0x8000, s31, s30, $0x38;
	[tilespmem:$0x18228] =	vst v63  }
0x83: {  	_ = 	snop  }
0x84: {  	[tilespmem:s22], [sflag:$0x5] =	stream.linear.gather [hbm4b:s9+s2], $0x80, $0x38;
	[tilespmem:$0x18228] =	vst v63  }
0x85: {  	s6 =	sadd.s32 $0x10, s9  }
0x86: {  	[tilespmem:s25], [sflag:$0x5] =	stream.linear.gather [hbm4b:s6+s2], $0x80, $0x38;
	[tilespmem:$0x18228] =	vst v63  }
0x87: {  	_ =	swait.ge [sflag:s21], $0x100  }
0x88: {  	[sflag:s21] =	ssyncset.done $0x0  }
0x89: {  	[sflag:s21] =	ssyncadd.s32 $0xFFFFFF00  }
.Ltmp0:
0x8a: {  	_ =	swait.ge [sflag:s4], $0x8000;
	(pc) =	sbr.rel @p1 .LBB2_2-.Ltmp0, $4  }
0x8b: {  	[sflag:s4] =	ssyncset.done $0x0  }
0x8c: {  	[sflag:s4] =	ssyncadd.s32 $0xFFFF8000  }
0x8d: {  	[tilespmem:s26], [sflag:$0x2] =	stream.indirect.gather [spmem:s1], $0x80, s22, s22, $0xb8;
	[tilespmem:$0x18228] =	vst v63  }
0x8e: {  	s9 =	sadd.s32 $0x40, s9  }
0x8f: {  	[tilespmem:s28], [sflag:$0x2] =	stream.indirect.gather [spmem:s1], $0x80, s25, s22, $0xb8;
	[tilespmem:$0x18228] =	vst v63  }
0x90: {  	_ =	swait.ge [sflag:s29], $0x4000  }
0x91: {  	[sflag:s29] =	ssyncset.done $0x0  }
0x92: {  	[sflag:s29] =	ssyncadd.s32 $0xFFFFC000  }
0x93: {  	_ =	swait.ge [sflag:s29], $0x4000  }
0x94: {  	[sflag:s29] =	ssyncset.done $0x0  }
0x95: {  	s6 =	rddreg [dreg:$0x6];
	[sflag:s29] =	ssyncadd.s32 $0xFFFFC000  }
0x96: {  	[hbm4b:s6+s30] =	stream.strided.scatter [tilespmem:s23], [sflag:$0x3], $0x8000, s31, s30, $0x38;
	[tilespmem:$0x18228] =	vst v63  }
0x97: {  	_ =	swait.ge [sflag:s0], $0x8000  }
0x98: {  	[sflag:s0] =	ssyncset.done $0x0  }
0x99: {  	[sflag:s0] =	ssyncadd.s32 $0xFFFF8000  }
0x9a: {  	_ =	swait.ge [sflag:s3], $0x4000  }
0x9b: {  	[sflag:s3] =	ssyncset.done $0x0  }
0x9c: {  	[sflag:s3] =	ssyncadd.s32 $0xFFFFC000  }
0x9d: {  	_ =	swait.ge [sflag:s3], $0x4000  }
0x9e: {  	[sflag:s3] =	ssyncset.done $0x0  }
0x9f: {  	s10 =	rddreg [dreg:$0x7];
	[sflag:s3] =	ssyncadd.s32 $0xFFFFC000  }
0xa0: {  	[hbm4b:s10+s30] =	stream.strided.scatter [tilespmem:s26], [sflag:$0x4], $0x8000, s31, s30, $0x38;
	[tilespmem:$0x18228] =	vst v63  }
0xa1: {  	_ =	swait.ge [sflag:s4], $0x8000  }
0xa2: {  	s5 =	sadd.s32 $0x1, s5;
	s16 =	rddreg [dreg:$0x8]  }
0xa3: {  	p1 =	sne.s32 s5, s16  }
.Ltmp1:
0xa4: {  	_ = 	snop;
	(pc) =	sbr.rel @p1 .LBB2_1-.Ltmp1, $3  }
0xa5: {  	_ =	sdelay $0x1  }
0xa6: {  	[sflag:s4] =	ssyncset.done $0x0  }
0xa7: {  	[sflag:s4] =	ssyncadd.s32 $0xFFFF8000  }
0xa8: {  	_ =	sfence.sel $0x180000  }
0xa9: {  	[bflag:$0x0] =	sbarrier.arrive $0xFFFF  }
0xaa: {  	_ =	strace $0x90000047  }
0xab: {  	s0 =	stileid.u32;
	[bflag:$0x2] =	sbarrier.arrive $0xFFFF  }
0xac: {  	p0 =	sne.s32 s0, $0x0;
	s0 =	rddreg [dreg:$0x4]  }
0xad: {  	s0 =	sadd.s32 @!p0 $0x100000, s0  }
0xae: {  	[sflag:s0] =	ssyncadd.tile.s32 @!p0 $0x1;
	_ =	shalt  }
.Lfunc_end2:
_tile_overlayer_lowered:
.L_overlay_start_2:
0xaf: {  	(tag) =	ssettag $0x2  }
0xb0: {  	s0 =	rddreg [dreg:$0x0];
	s2 =	stileid.u32  }
0xb1: {  	s1 =	rddreg [dreg:$0x1];
	p0 =	sne.s32 s2, $0x0  }
0xb2: {  	s3 =	rddreg [dreg:$0x2];
	[bflag:$0x3] =	sbarrier.arrive $0xFFFF;
	s2 =	simm.s32 @!p0 $0x1C05  }
0xb3: {  	[timem:s3], [sflag:s2] =	dma.local @!p0 [hbm:s0], s1  }
0xb4: {  	s0 =	simm.s32 @!p0 $0x5  }
0xb5: {  	_ =	swait.ge @!p0 [sflag:s0], s1  }
0xb6: {  	s1 =	ssub.s32 @!p0 $0x0, s1;
	[sflag:s0] =	ssyncset.done @!p0 $0x0  }
0xb7: {  	[sflag:s0] =	ssyncadd.s32 @!p0 s1  }
0xb8: {  	[bflag:$0x3] =	sbarrier.arrive $0xFFFF  }
0xb9: {  	_ =	shalt  }

</sc_bundles>
